<compile_context>
chip_gen: v7x
topology: tpu7x:2x2x1
jax: 0.10.2.dev20260603
libtpu: 0.0.44.dev20260713+nightly
codegen_flags: <defaults>
</compile_context>

<pallas_src>
import functools

import jax
import jax.numpy as jnp
from jax import lax
from jax.experimental import pallas as pl
from jax.experimental.pallas import tpu as pltpu
from jax.experimental.pallas import tpu_sc as plsc

D = 128
W = D // 2
L = 16
NC = 2
NS = 16
NW = NC * NS
CHUNK = 320
TAIL = 80


def _dot_body(hp_hbm, cidx_hbm, out_hbm,
              h_sp, cidx_v, rows, scores2, tr, gsems, isems, osems,
              *, epw, n_nodes):
    sid = lax.axis_index("s")
    wid = sid * NC + lax.axis_index("c")
    base = wid * epw
    nfull = (epw - TAIL) // CHUNK
    tpw = 2 * epw
    cw = 2 * CHUNK
    tw = 2 * TAIL
    ibase = wid * tpw
    tail_off = nfull * cw

    rows_per_tile = (n_nodes // NS) // 8 * 8
    rtail = n_nodes - rows_per_tile * NS
    pltpu.sync_copy(hp_hbm.at[pl.ds(sid * rows_per_tile, rows_per_tile)],
                    h_sp.at[pl.ds(sid * rows_per_tile, rows_per_tile)])
    if rtail:
        @pl.when(sid == NS - 1)
        def _():
            pltpu.sync_copy(hp_hbm.at[pl.ds(rows_per_tile * NS, rtail)],
                            h_sp.at[pl.ds(rows_per_tile * NS, rtail)])
    pltpu.sync_copy(cidx_hbm.at[pl.ds(ibase, cw)], cidx_v.at[0])
    pltpu.async_copy(cidx_hbm.at[pl.ds(ibase + cw, cw)], cidx_v.at[1],
                     isems.at[1])
    plsc.subcore_barrier()

    def issue_gather(slot):
        pltpu.async_copy(h_sp.at[cidx_v.at[slot]], rows.at[slot],
                         gsems.at[slot])

    def wait_gather(slot):
        pltpu.make_async_copy(h_sp.at[cidx_v.at[slot]], rows.at[slot],
                              gsems.at[slot]).wait()

    def prefetch_idx(c, slot):
        pltpu.async_copy(cidx_hbm.at[pl.ds(ibase + c * cw, cw)],
                         cidx_v.at[slot], isems.at[slot])

    def wait_idx(slot):
        pltpu.make_async_copy(cidx_hbm.at[pl.ds(ibase, cw)],
                              cidx_v.at[slot], isems.at[slot]).wait()

    lane = lax.iota(jnp.int32, L)

    def compute(slot, sslot, nedges, voff, gsz):
        rr = rows.at[slot]
        sc = scores2.at[sslot]
        ngroups = nedges // gsz
        nres = gsz // L

        def group_body(g, gcarry):
            init = tuple(jnp.zeros((L,), jnp.float32) for _ in range(nres))

            @plsc.parallel_loop(0, gsz, step=1, unroll=4, carry=init)
            def edge_body(e, res):
                ea = g * gsz + e
                pacc = None
                for k in range(W // L):
                    uw = rr[ea, pl.ds(k * L, L)]
                    vw = rr[voff + ea, pl.ds(k * L, L)]
                    ub = plsc.bitcast(uw, jnp.bfloat16)
                    vb = plsc.bitcast(vw, jnp.bfloat16)
                    prod = ub * vb
                    pacc = prod if pacc is None else pacc + prod
                pe, po = plsc.unpack(pacc,
                                     format=plsc.PackFormat.INTERLEAVED)
                acc = pe + po
                s = jnp.sum(acc)
                sv = jnp.full((L,), s, jnp.float32)
                return tuple(jnp.where(lane == e - j * L, sv, res[j])
                             for j in range(nres))

            for j in range(nres):
                sc[pl.ds(g * gsz + j * L, L)] = edge_body[j]
            return gcarry

        lax.fori_loop(0, ngroups, group_body, 0)

    def store_scores(c, sslot):
        pltpu.async_copy(scores2.at[sslot],
                         out_hbm.at[pl.ds(base + c * CHUNK, CHUNK)],
                         osems.at[sslot])

    def wait_store(c, sslot):
        pltpu.make_async_copy(scores2.at[sslot],
                              out_hbm.at[pl.ds(base + c * CHUNK, CHUNK)],
                              osems.at[sslot]).wait()

    issue_gather(0)

    def chunk_body(c, carry):
        def do(s, o):
            wait_gather(s)

            @pl.when(c + 1 < nfull)
            def _():
                wait_idx(o)
                issue_gather(o)

            @pl.when(c + 2 < nfull)
            def _():
                prefetch_idx(c + 2, s)

            @pl.when(c + 2 == nfull)
            def _():
                pltpu.async_copy(
                    cidx_hbm.at[pl.ds(ibase + tail_off, tw)],
                    cidx_v.at[s, pl.ds(0, tw)], isems.at[s])

            @pl.when(c >= 2)
            def _():
                wait_store(c - 2, s)

            compute(s, s, CHUNK, CHUNK, 2 * L)
            store_scores(c, s)

        @pl.when(c % 2 == 0)
        def _():
            do(0, 1)

        @pl.when(c % 2 == 1)
        def _():
            do(1, 0)

        return carry

    lax.fori_loop(0, nfull, chunk_body, 0)

    tslot = (nfull - 2) % 2
    pltpu.make_async_copy(cidx_hbm.at[pl.ds(ibase + tail_off, tw)],
                          cidx_v.at[tslot, pl.ds(0, tw)],
                          isems.at[tslot]).wait()
    tidx = cidx_v.at[tslot, pl.ds(0, tw)]
    trows = rows.at[tslot, pl.ds(0, tw)]
    pltpu.async_copy(h_sp.at[tidx], trows, gsems.at[tslot])
    pltpu.make_async_copy(h_sp.at[tidx], trows, gsems.at[tslot]).wait()
    wait_store(nfull - 2, (nfull - 2) % 2)
    wait_store(nfull - 1, (nfull - 1) % 2)
    compute(tslot, tslot, TAIL, TAIL, L)
    tsc = scores2.at[tslot, pl.ds(0, TAIL)]
    pltpu.async_copy(tsc, out_hbm.at[pl.ds(base + nfull * CHUNK, TAIL)],
                     osems.at[tslot])
    pltpu.make_async_copy(tsc,
                          out_hbm.at[pl.ds(base + nfull * CHUNK, TAIL)],
                          osems.at[tslot]).wait()


def kernel(h, edge_index):
    E = edge_index.shape[1]
    epw = E // NW
    n_nodes = h.shape[0]
    nfull = (epw - TAIL) // CHUNK
    hb = h.astype(jnp.bfloat16)
    hp = jax.lax.bitcast_convert_type(
        hb.reshape(n_nodes, W, 2), jnp.int32)
    src = edge_index[0].astype(jnp.int32).reshape(NW, epw)
    dst = edge_index[1].astype(jnp.int32).reshape(NW, epw)
    nf = nfull * CHUNK
    fullb = jnp.concatenate(
        [src[:, :nf].reshape(NW, nfull, CHUNK),
         dst[:, :nf].reshape(NW, nfull, CHUNK)],
        axis=-1).reshape(NW, nfull * 2 * CHUNK)
    tailb = jnp.concatenate([src[:, nf:], dst[:, nf:]], axis=-1)
    cidx = jnp.concatenate([fullb, tailb], axis=-1).reshape(-1)
    mesh = plsc.VectorSubcoreMesh(core_axis_name="c", subcore_axis_name="s")
    body = functools.partial(_dot_body, epw=epw, n_nodes=n_nodes)
    f = pl.kernel(
        body,
        mesh=mesh,
        compiler_params=pltpu.CompilerParams(needs_layout_passes=False,
                                             use_tc_tiling_on_sc=False),
        out_type=jax.ShapeDtypeStruct((E,), jnp.float32),
        scratch_types=[
            pltpu.VMEM_SHARED((n_nodes, W), jnp.int32),
            pltpu.VMEM((2, 2 * CHUNK), jnp.int32),
            pltpu.VMEM((2, 2 * CHUNK, W), jnp.int32),
            pltpu.VMEM((2, CHUNK), jnp.float32),
            pltpu.VMEM((L * (L + 1),), jnp.float32),
            pltpu.SemaphoreType.DMA((2,)),
            pltpu.SemaphoreType.DMA((2,)),
            pltpu.SemaphoreType.DMA((2,)),
        ],
    )
    return f(hp, cidx)

# --- scband reference (transcript-rebuilt; emitter-appended) ---
"""Pipeline reference for scband-dot-predictor-9895604650662 (READ-ONLY COPY).

The authoritative reference and input builder live on the scoring server;
editing this copy changes nothing except your own understanding.
"""

import jax, jax.numpy as jnp
import numpy as np

N_NODES = 10000
N_EDGES = 320000
D_FEAT = 128

def setup_inputs(seed: int = 0) -> dict:
    key = jax.random.key(seed)
    k1, k2 = jax.random.split(key)
    h = jax.random.normal(k1, (N_NODES, D_FEAT), dtype=jnp.float32)
    edge_index = jax.random.randint(k2, (2, N_EDGES), 0, N_NODES, dtype=jnp.int64)
    return {"h": h, "edge_index": edge_index}

def reference(h, edge_index):
    # DGL DotPredictor: for each edge (u, v), score = dot(h[u], h[v])
    # g.apply_edges(fn.u_dot_v('h', 'h', 'score')); return g.edata['score'][:, 0]
    src = edge_index[0]
    dst = edge_index[1]
    h_u = jnp.take(h, src, axis=0)  # gather [E, d]
    h_v = jnp.take(h, dst, axis=0)  # gather [E, d]
    score = jnp.sum(h_u * h_v, axis=-1)  # [E]
    return score

if __name__ == "__main__":
    import jax
    _d = setup_inputs()
    print(jax.jit(kernel)(*tuple(_d.values())))

</pallas_src>

<mosaic_0001>
#map = affine_map<(d0, d1) -> (0, 0)>
#map1 = affine_map<(d0, d1) -> (0)>
module attributes {stable_mosaic.version = 14 : i64} {
  func.func @_dot_body(%arg0: i32, %arg1: i32, %arg2: memref<10000x64xi32, #tpu.memory_space<hbm>>, %arg3: memref<640000xi32, #tpu.memory_space<hbm>>, %arg4: memref<320000xf32, #tpu.memory_space<hbm>>, %arg5: memref<10000x64xi32, #tpu.memory_space<vmem_shared>>, %arg6: memref<2x640xi32, #tpu.memory_space<vmem>>, %arg7: memref<2x640x64xi32, #tpu.memory_space<vmem>>, %arg8: memref<2x320xf32, #tpu.memory_space<vmem>>, %arg9: memref<272xf32, #tpu.memory_space<vmem>>, %arg10: memref<2x!tpu.dma_semaphore, #tpu.memory_space<semaphore_mem>>, %arg11: memref<2x!tpu.dma_semaphore, #tpu.memory_space<semaphore_mem>>, %arg12: memref<2x!tpu.dma_semaphore, #tpu.memory_space<semaphore_mem>>) attributes {dimension_semantics = [#tpu.dimension_semantics<core_parallel>, #tpu.dimension_semantics<subcore_parallel>], iteration_bounds = array<i64: 2, 16>, scalar_prefetch = 0 : i64, scratch_operands = 8 : i64, tpu.core_type = #tpu.core_type<sc_vector_subcore>, window_params = [{transform_indices = #map}, {transform_indices = #map1}, {transform_indices = #map1}]} {
    %mul3A = arith.constant 2 : i32
    %mul3A_0 = arith.muli %arg1, %mul3A : i32
    %add3A = arith.addi %mul3A_0, %arg0 : i32
    %mul3A_1 = arith.constant 10000 : i32
    %mul3A_2 = arith.muli %add3A, %mul3A_1 : i32
    %mul3A_3 = arith.constant 20000 : i32
    %mul3A_4 = arith.muli %add3A, %mul3A_3 : i32
    %mul3A_5 = arith.constant 624 : i32
    %mul3A_6 = arith.muli %arg1, %mul3A_5 : i32
    %mul3A_7 = arith.constant 624 : i32
    %mul3A_8 = arith.muli %arg1, %mul3A_7 : i32
    "tpu.region"() ({
      %run_scoped3A_151 = tpu.sem_alloc : memref<!tpu.dma_semaphore, #tpu.memory_space<semaphore_mem>>
      %dma_start3A_152 = arith.constant 0 : i32
      %dma_start3A_153 = tpu.memref_slice %arg5[%mul3A_8, %dma_start3A_152] : memref<10000x64xi32, #tpu.memory_space<vmem_shared>> -> memref<624x64xi32, #tpu.memory_space<vmem_shared>>
      %dma_start3A_154 = arith.constant 0 : i32
      %dma_start3A_155 = tpu.memref_slice %arg2[%mul3A_6, %dma_start3A_154] : memref<10000x64xi32, #tpu.memory_space<hbm>> -> memref<624x64xi32, #tpu.memory_space<hbm>>
      tpu.enqueue_dma source(%dma_start3A_155 : memref<624x64xi32, #tpu.memory_space<hbm>>) target(%dma_start3A_153 : memref<624x64xi32, #tpu.memory_space<vmem_shared>>) target_semaphore(%run_scoped3A_151 : memref<!tpu.dma_semaphore, #tpu.memory_space<semaphore_mem>>)
      %dma_wait3A_156 = arith.constant 0 : i32
      %dma_wait3A_157 = tpu.memref_slice %arg5[%mul3A_8, %dma_wait3A_156] : memref<10000x64xi32, #tpu.memory_space<vmem_shared>> -> memref<624x64xi32, #tpu.memory_space<vmem_shared>>
      %dma_wait3A_158 = arith.constant 0 : i32
      %dma_wait3A_159 = tpu.memref_slice %arg2[%mul3A_6, %dma_wait3A_158] : memref<10000x64xi32, #tpu.memory_space<hbm>> -> memref<624x64xi32, #tpu.memory_space<hbm>>
      tpu.wait_dma2 semaphore(%run_scoped3A_151 : memref<!tpu.dma_semaphore, #tpu.memory_space<semaphore_mem>>) src(%dma_wait3A_159 : memref<624x64xi32, #tpu.memory_space<hbm>>) dst(%dma_wait3A_157 : memref<624x64xi32, #tpu.memory_space<vmem_shared>>)
      tpu.yield
    }) : () -> ()
    %eq3A = arith.constant 15 : i32
    %eq3A_9 = arith.cmpi eq, %arg1, %eq3A : i32
    %convert_element_type3A = arith.extui %eq3A_9 : i1 to i32
    %cond3A = arith.constant 0 : i32
    %cond3A_10 = arith.cmpi ne, %convert_element_type3A, %cond3A : i32
    scf.if %cond3A_10 {
      "tpu.region"() ({
        %run_scoped3A_151 = tpu.sem_alloc : memref<!tpu.dma_semaphore, #tpu.memory_space<semaphore_mem>>
        %dma_start3A_152 = arith.constant 9984 : i32
        %dma_start3A_153 = arith.constant 0 : i32
        %dma_start3A_154 = tpu.memref_slice %arg5[%dma_start3A_152, %dma_start3A_153] : memref<10000x64xi32, #tpu.memory_space<vmem_shared>> -> memref<16x64xi32, #tpu.memory_space<vmem_shared>>
        %dma_start3A_155 = arith.constant 9984 : i32
        %dma_start3A_156 = arith.constant 0 : i32
        %dma_start3A_157 = tpu.memref_slice %arg2[%dma_start3A_155, %dma_start3A_156] : memref<10000x64xi32, #tpu.memory_space<hbm>> -> memref<16x64xi32, #tpu.memory_space<hbm>>
        tpu.enqueue_dma source(%dma_start3A_157 : memref<16x64xi32, #tpu.memory_space<hbm>>) target(%dma_start3A_154 : memref<16x64xi32, #tpu.memory_space<vmem_shared>>) target_semaphore(%run_scoped3A_151 : memref<!tpu.dma_semaphore, #tpu.memory_space<semaphore_mem>>)
        %dma_wait3A_158 = arith.constant 9984 : i32
        %dma_wait3A_159 = arith.constant 0 : i32
        %dma_wait3A_160 = tpu.memref_slice %arg5[%dma_wait3A_158, %dma_wait3A_159] : memref<10000x64xi32, #tpu.memory_space<vmem_shared>> -> memref<16x64xi32, #tpu.memory_space<vmem_shared>>
        %dma_wait3A_161 = arith.constant 9984 : i32
        %dma_wait3A_162 = arith.constant 0 : i32
        %dma_wait3A_163 = tpu.memref_slice %arg2[%dma_wait3A_161, %dma_wait3A_162] : memref<10000x64xi32, #tpu.memory_space<hbm>> -> memref<16x64xi32, #tpu.memory_space<hbm>>
        tpu.wait_dma2 semaphore(%run_scoped3A_151 : memref<!tpu.dma_semaphore, #tpu.memory_space<semaphore_mem>>) src(%dma_wait3A_163 : memref<16x64xi32, #tpu.memory_space<hbm>>) dst(%dma_wait3A_160 : memref<16x64xi32, #tpu.memory_space<vmem_shared>>)
        tpu.yield
      }) : () -> ()
    } else {
    }
    %run_scoped3A = arith.constant 0 : i32
    "tpu.region"() ({
      %run_scoped3A_151 = tpu.sem_alloc : memref<!tpu.dma_semaphore, #tpu.memory_space<semaphore_mem>>
      %dma_start3A_152 = arith.constant 0 : i32
      %dma_start3A_153 = tpu.memref_slice %arg6[%run_scoped3A, %dma_start3A_152] : memref<2x640xi32, #tpu.memory_space<vmem>> -> memref<1x640xi32, #tpu.memory_space<vmem>>
      %dma_start3A_154 = tpu.memref_squeeze %dma_start3A_153 : memref<1x640xi32, #tpu.memory_space<vmem>> -> memref<640xi32, #tpu.memory_space<vmem>>
      %dma_start3A_155 = tpu.memref_slice %arg3[%mul3A_4] : memref<640000xi32, #tpu.memory_space<hbm>> -> memref<640xi32, #tpu.memory_space<hbm>>
      %dma_start3A_156 = arith.constant 0 : i32
      %dma_start3A_157 = tpu.memref_slice %arg6[%run_scoped3A, %dma_start3A_156] : memref<2x640xi32, #tpu.memory_space<vmem>> -> memref<1x640xi32, #tpu.memory_space<vmem>>
      %dma_start3A_158 = tpu.memref_squeeze %dma_start3A_157 : memref<1x640xi32, #tpu.memory_space<vmem>> -> memref<640xi32, #tpu.memory_space<vmem>>
      %dma_start3A_159 = tpu.memref_slice %arg3[%mul3A_4] : memref<640000xi32, #tpu.memory_space<hbm>> -> memref<640xi32, #tpu.memory_space<hbm>>
      tpu.enqueue_dma source(%dma_start3A_159 : memref<640xi32, #tpu.memory_space<hbm>>) target(%dma_start3A_158 : memref<640xi32, #tpu.memory_space<vmem>>) target_semaphore(%run_scoped3A_151 : memref<!tpu.dma_semaphore, #tpu.memory_space<semaphore_mem>>)
      %dma_wait3A_160 = arith.constant 0 : i32
      %dma_wait3A_161 = tpu.memref_slice %arg6[%run_scoped3A, %dma_wait3A_160] : memref<2x640xi32, #tpu.memory_space<vmem>> -> memref<1x640xi32, #tpu.memory_space<vmem>>
      %dma_wait3A_162 = tpu.memref_squeeze %dma_wait3A_161 : memref<1x640xi32, #tpu.memory_space<vmem>> -> memref<640xi32, #tpu.memory_space<vmem>>
      %dma_wait3A_163 = tpu.memref_slice %arg3[%mul3A_4] : memref<640000xi32, #tpu.memory_space<hbm>> -> memref<640xi32, #tpu.memory_space<hbm>>
      %dma_wait3A_164 = arith.constant 0 : i32
      %dma_wait3A_165 = tpu.memref_slice %arg6[%run_scoped3A, %dma_wait3A_164] : memref<2x640xi32, #tpu.memory_space<vmem>> -> memref<1x640xi32, #tpu.memory_space<vmem>>
      %dma_wait3A_166 = tpu.memref_squeeze %dma_wait3A_165 : memref<1x640xi32, #tpu.memory_space<vmem>> -> memref<640xi32, #tpu.memory_space<vmem>>
      %dma_wait3A_167 = tpu.memref_slice %arg3[%mul3A_4] : memref<640000xi32, #tpu.memory_space<hbm>> -> memref<640xi32, #tpu.memory_space<hbm>>
      tpu.wait_dma2 semaphore(%run_scoped3A_151 : memref<!tpu.dma_semaphore, #tpu.memory_space<semaphore_mem>>) src(%dma_wait3A_167 : memref<640xi32, #tpu.memory_space<hbm>>) dst(%dma_wait3A_166 : memref<640xi32, #tpu.memory_space<vmem>>)
      tpu.yield
    }) : () -> ()
    %add3A_11 = arith.constant 640 : i32
    %add3A_12 = arith.addi %mul3A_4, %add3A_11 : i32
    %dma_start3A = arith.constant 1 : i32
    %dma_start3A_13 = arith.constant 1 : i32
    %dma_start3A_14 = arith.constant 0 : i32
    %dma_start3A_15 = tpu.memref_slice %arg6[%dma_start3A, %dma_start3A_14] : memref<2x640xi32, #tpu.memory_space<vmem>> -> memref<1x640xi32, #tpu.memory_space<vmem>>
    %dma_start3A_16 = tpu.memref_squeeze %dma_start3A_15 : memref<1x640xi32, #tpu.memory_space<vmem>> -> memref<640xi32, #tpu.memory_space<vmem>>
    %dma_start3A_17 = tpu.memref_slice %arg3[%add3A_12] : memref<640000xi32, #tpu.memory_space<hbm>> -> memref<640xi32, #tpu.memory_space<hbm>>
    %dma_start3A_18 = tpu.memref_slice %arg11[%dma_start3A_13] : memref<2x!tpu.dma_semaphore, #tpu.memory_space<semaphore_mem>> -> memref<1x!tpu.dma_semaphore, #tpu.memory_space<semaphore_mem>>
    %dma_start3A_19 = tpu.memref_squeeze %dma_start3A_18 : memref<1x!tpu.dma_semaphore, #tpu.memory_space<semaphore_mem>> -> memref<!tpu.dma_semaphore, #tpu.memory_space<semaphore_mem>>
    %dma_start3A_20 = arith.constant 0 : i32
    %dma_start3A_21 = tpu.memref_slice %arg6[%dma_start3A, %dma_start3A_20] : memref<2x640xi32, #tpu.memory_space<vmem>> -> memref<1x640xi32, #tpu.memory_space<vmem>>
    %dma_start3A_22 = tpu.memref_squeeze %dma_start3A_21 : memref<1x640xi32, #tpu.memory_space<vmem>> -> memref<640xi32, #tpu.memory_space<vmem>>
    %dma_start3A_23 = tpu.memref_slice %arg3[%add3A_12] : memref<640000xi32, #tpu.memory_space<hbm>> -> memref<640xi32, #tpu.memory_space<hbm>>
    tpu.enqueue_dma source(%dma_start3A_23 : memref<640xi32, #tpu.memory_space<hbm>>) target(%dma_start3A_22 : memref<640xi32, #tpu.memory_space<vmem>>) target_semaphore(%dma_start3A_19 : memref<!tpu.dma_semaphore, #tpu.memory_space<semaphore_mem>>)
    %barrier3A = arith.constant 0 : index
    tpu.barrier barrier_id(%barrier3A)
    %iota3A = tpu.iota {dimensions = array<i32: 0>} : vector<16xi32>
    %dma_start3A_24 = arith.constant 0 : i32
    %dma_start3A_25 = arith.constant 0 : i32
    %dma_start3A_26 = arith.constant 0 : i32
    %dma_start3A_27 = arith.constant 0 : i32
    %dma_start3A_28 = arith.constant 0 : i32
    %dma_start3A_29 = tpu.memref_slice %arg7[%dma_start3A_25, %dma_start3A_27, %dma_start3A_28] : memref<2x640x64xi32, #tpu.memory_space<vmem>> -> memref<1x640x64xi32, #tpu.memory_space<vmem>>
    %dma_start3A_30 = tpu.memref_squeeze %dma_start3A_29 : memref<1x640x64xi32, #tpu.memory_space<vmem>> -> memref<640x64xi32, #tpu.memory_space<vmem>>
    %dma_start3A_31 = arith.constant 0 : i32
    %dma_start3A_32 = tpu.memref_slice %arg6[%dma_start3A_24, %dma_start3A_31] : memref<2x640xi32, #tpu.memory_space<vmem>> -> memref<1x640xi32, #tpu.memory_space<vmem>>
    %dma_start3A_33 = tpu.memref_squeeze %dma_start3A_32 : memref<1x640xi32, #tpu.memory_space<vmem>> -> memref<640xi32, #tpu.memory_space<vmem>>
    %dma_start3A_34 = arith.constant 0 : i32
    %dma_start3A_35 = arith.constant 0 : i32
    %dma_start3A_36 = tpu.memref_slice %arg5[%dma_start3A_34, %dma_start3A_35] : memref<10000x64xi32, #tpu.memory_space<vmem_shared>> -> memref<10000x64xi32, #tpu.memory_space<vmem_shared>>
    %dma_start3A_37 = tpu.memref_slice %arg10[%dma_start3A_26] : memref<2x!tpu.dma_semaphore, #tpu.memory_space<semaphore_mem>> -> memref<1x!tpu.dma_semaphore, #tpu.memory_space<semaphore_mem>>
    %dma_start3A_38 = tpu.memref_squeeze %dma_start3A_37 : memref<1x!tpu.dma_semaphore, #tpu.memory_space<semaphore_mem>> -> memref<!tpu.dma_semaphore, #tpu.memory_space<semaphore_mem>>
    tpu.enqueue_indirect_dma source(%dma_start3A_36 : memref<10000x64xi32, #tpu.memory_space<vmem_shared>>) target(%dma_start3A_30 : memref<640x64xi32, #tpu.memory_space<vmem>>) offsets(%dma_start3A_33 : memref<640xi32, #tpu.memory_space<vmem>>) semaphore(%dma_start3A_38 : memref<!tpu.dma_semaphore, #tpu.memory_space<semaphore_mem>>)
    %scan3A = arith.constant 0 : i32
    %scan3A_39 = arith.constant 0 : i32
    %scan3A_40 = arith.constant 31 : i32
    %scan3A_41 = arith.addi %scan3A_39, %scan3A_40 : i32
    %scan3A_42 = arith.constant 1 : i32
    scf.for %scan3A_151 = %scan3A_39 to %scan3A_41 step %scan3A_42  : i32 {
      %jit3A = arith.constant 2 : i32
      %eq3A_152 = arith.constant 0 : i32
      %eq3A_153 = arith.cmpi eq, %jit3A, %eq3A_152 : i32
      %jit3A_154 = arith.constant 1 : i32
      %select_n3A = arith.select %eq3A_153, %jit3A_154, %jit3A : i32
      %rem3A = arith.remsi %scan3A_151, %select_n3A : i32
      %ne3A = arith.constant 0 : i32
      %ne3A_155 = arith.cmpi ne, %rem3A, %ne3A : i32
      %lt3A = arith.constant 0 : i32
      %lt3A_156 = arith.cmpi slt, %rem3A, %lt3A : i32
      %lt3A_157 = arith.constant 0 : i32
      %lt3A_158 = arith.cmpi slt, %select_n3A, %lt3A_157 : i32
      %ne3A_159 = arith.xori %lt3A_156, %lt3A_158 : i1
      %and3A = arith.andi %ne3A_159, %ne3A_155 : i1
      %add3A_160 = arith.addi %rem3A, %select_n3A : i32
      %select_n3A_161 = arith.select %and3A, %add3A_160, %rem3A : i32
      %eq3A_162 = arith.constant 0 : i32
      %eq3A_163 = arith.cmpi eq, %select_n3A_161, %eq3A_162 : i32
      %convert_element_type3A_164 = arith.extui %eq3A_163 : i1 to i32
      %cond3A_165 = arith.constant 0 : i32
      %cond3A_166 = arith.cmpi ne, %convert_element_type3A_164, %cond3A_165 : i32
      scf.if %cond3A_166 {
        %dma_wait3A_188 = arith.constant 0 : i32
        %dma_wait3A_189 = arith.constant 0 : i32
        %dma_wait3A_190 = arith.constant 0 : i32
        %dma_wait3A_191 = arith.constant 0 : i32
        %dma_wait3A_192 = arith.constant 0 : i32
        %dma_wait3A_193 = tpu.memref_slice %arg7[%dma_wait3A_189, %dma_wait3A_191, %dma_wait3A_192] : memref<2x640x64xi32, #tpu.memory_space<vmem>> -> memref<1x640x64xi32, #tpu.memory_space<vmem>>
        %dma_wait3A_194 = tpu.memref_squeeze %dma_wait3A_193 : memref<1x640x64xi32, #tpu.memory_space<vmem>> -> memref<640x64xi32, #tpu.memory_space<vmem>>
        %dma_wait3A_195 = arith.constant 0 : i32
        %dma_wait3A_196 = tpu.memref_slice %arg6[%dma_wait3A_188, %dma_wait3A_195] : memref<2x640xi32, #tpu.memory_space<vmem>> -> memref<1x640xi32, #tpu.memory_space<vmem>>
        %dma_wait3A_197 = tpu.memref_squeeze %dma_wait3A_196 : memref<1x640xi32, #tpu.memory_space<vmem>> -> memref<640xi32, #tpu.memory_space<vmem>>
        %dma_wait3A_198 = arith.constant 0 : i32
        %dma_wait3A_199 = arith.constant 0 : i32
        %dma_wait3A_200 = tpu.memref_slice %arg5[%dma_wait3A_198, %dma_wait3A_199] : memref<10000x64xi32, #tpu.memory_space<vmem_shared>> -> memref<10000x64xi32, #tpu.memory_space<vmem_shared>>
        %dma_wait3A_201 = tpu.memref_slice %arg10[%dma_wait3A_190] : memref<2x!tpu.dma_semaphore, #tpu.memory_space<semaphore_mem>> -> memref<1x!tpu.dma_semaphore, #tpu.memory_space<semaphore_mem>>
        %dma_wait3A_202 = tpu.memref_squeeze %dma_wait3A_201 : memref<1x!tpu.dma_semaphore, #tpu.memory_space<semaphore_mem>> -> memref<!tpu.dma_semaphore, #tpu.memory_space<semaphore_mem>>
        tpu.wait_indirect_dma semaphore(%dma_wait3A_202 : memref<!tpu.dma_semaphore, #tpu.memory_space<semaphore_mem>>) src(%dma_wait3A_200 : memref<10000x64xi32, #tpu.memory_space<vmem_shared>>) dst(%dma_wait3A_194 : memref<640x64xi32, #tpu.memory_space<vmem>>)
        %add3A_203 = arith.constant 1 : i32
        %add3A_204 = arith.addi %scan3A_151, %add3A_203 : i32
        %lt3A_205 = arith.constant 31 : i32
        %lt3A_206 = arith.cmpi slt, %add3A_204, %lt3A_205 : i32
        %convert_element_type3A_207 = arith.extui %lt3A_206 : i1 to i32
        %cond3A_208 = arith.constant 0 : i32
        %cond3A_209 = arith.cmpi ne, %convert_element_type3A_207, %cond3A_208 : i32
        scf.if %cond3A_209 {
          %dma_wait3A_251 = arith.constant 1 : i32
          %dma_wait3A_252 = arith.constant 1 : i32
          %dma_wait3A_253 = arith.constant 0 : i32
          %dma_wait3A_254 = tpu.memref_slice %arg6[%dma_wait3A_251, %dma_wait3A_253] : memref<2x640xi32, #tpu.memory_space<vmem>> -> memref<1x640xi32, #tpu.memory_space<vmem>>
          %dma_wait3A_255 = tpu.memref_squeeze %dma_wait3A_254 : memref<1x640xi32, #tpu.memory_space<vmem>> -> memref<640xi32, #tpu.memory_space<vmem>>
          %dma_wait3A_256 = tpu.memref_slice %arg3[%mul3A_4] : memref<640000xi32, #tpu.memory_space<hbm>> -> memref<640xi32, #tpu.memory_space<hbm>>
          %dma_wait3A_257 = tpu.memref_slice %arg11[%dma_wait3A_252] : memref<2x!tpu.dma_semaphore, #tpu.memory_space<semaphore_mem>> -> memref<1x!tpu.dma_semaphore, #tpu.memory_space<semaphore_mem>>
          %dma_wait3A_258 = tpu.memref_squeeze %dma_wait3A_257 : memref<1x!tpu.dma_semaphore, #tpu.memory_space<semaphore_mem>> -> memref<!tpu.dma_semaphore, #tpu.memory_space<semaphore_mem>>
          %dma_wait3A_259 = arith.constant 0 : i32
          %dma_wait3A_260 = tpu.memref_slice %arg6[%dma_wait3A_251, %dma_wait3A_259] : memref<2x640xi32, #tpu.memory_space<vmem>> -> memref<1x640xi32, #tpu.memory_space<vmem>>
          %dma_wait3A_261 = tpu.memref_squeeze %dma_wait3A_260 : memref<1x640xi32, #tpu.memory_space<vmem>> -> memref<640xi32, #tpu.memory_space<vmem>>
          %dma_wait3A_262 = tpu.memref_slice %arg3[%mul3A_4] : memref<640000xi32, #tpu.memory_space<hbm>> -> memref<640xi32, #tpu.memory_space<hbm>>
          tpu.wait_dma2 semaphore(%dma_wait3A_258 : memref<!tpu.dma_semaphore, #tpu.memory_space<semaphore_mem>>) src(%dma_wait3A_262 : memref<640xi32, #tpu.memory_space<hbm>>) dst(%dma_wait3A_261 : memref<640xi32, #tpu.memory_space<vmem>>)
          %dma_start3A_263 = arith.constant 1 : i32
          %dma_start3A_264 = arith.constant 1 : i32
          %dma_start3A_265 = arith.constant 1 : i32
          %dma_start3A_266 = arith.constant 0 : i32
          %dma_start3A_267 = arith.constant 0 : i32
          %dma_start3A_268 = tpu.memref_slice %arg7[%dma_start3A_264, %dma_start3A_266, %dma_start3A_267] : memref<2x640x64xi32, #tpu.memory_space<vmem>> -> memref<1x640x64xi32, #tpu.memory_space<vmem>>
          %dma_start3A_269 = tpu.memref_squeeze %dma_start3A_268 : memref<1x640x64xi32, #tpu.memory_space<vmem>> -> memref<640x64xi32, #tpu.memory_space<vmem>>
          %dma_start3A_270 = arith.constant 0 : i32
          %dma_start3A_271 = tpu.memref_slice %arg6[%dma_start3A_263, %dma_start3A_270] : memref<2x640xi32, #tpu.memory_space<vmem>> -> memref<1x640xi32, #tpu.memory_space<vmem>>
          %dma_start3A_272 = tpu.memref_squeeze %dma_start3A_271 : memref<1x640xi32, #tpu.memory_space<vmem>> -> memref<640xi32, #tpu.memory_space<vmem>>
          %dma_start3A_273 = arith.constant 0 : i32
          %dma_start3A_274 = arith.constant 0 : i32
          %dma_start3A_275 = tpu.memref_slice %arg5[%dma_start3A_273, %dma_start3A_274] : memref<10000x64xi32, #tpu.memory_space<vmem_shared>> -> memref<10000x64xi32, #tpu.memory_space<vmem_shared>>
          %dma_start3A_276 = tpu.memref_slice %arg10[%dma_start3A_265] : memref<2x!tpu.dma_semaphore, #tpu.memory_space<semaphore_mem>> -> memref<1x!tpu.dma_semaphore, #tpu.memory_space<semaphore_mem>>
          %dma_start3A_277 = tpu.memref_squeeze %dma_start3A_276 : memref<1x!tpu.dma_semaphore, #tpu.memory_space<semaphore_mem>> -> memref<!tpu.dma_semaphore, #tpu.memory_space<semaphore_mem>>
          tpu.enqueue_indirect_dma source(%dma_start3A_275 : memref<10000x64xi32, #tpu.memory_space<vmem_shared>>) target(%dma_start3A_269 : memref<640x64xi32, #tpu.memory_space<vmem>>) offsets(%dma_start3A_272 : memref<640xi32, #tpu.memory_space<vmem>>) semaphore(%dma_start3A_277 : memref<!tpu.dma_semaphore, #tpu.memory_space<semaphore_mem>>)
        } else {
        }
        %add3A_210 = arith.constant 2 : i32
        %add3A_211 = arith.addi %scan3A_151, %add3A_210 : i32
        %lt3A_212 = arith.constant 31 : i32
        %lt3A_213 = arith.cmpi slt, %add3A_211, %lt3A_212 : i32
        %convert_element_type3A_214 = arith.extui %lt3A_213 : i1 to i32
        %cond3A_215 = arith.constant 0 : i32
        %cond3A_216 = arith.cmpi ne, %convert_element_type3A_214, %cond3A_215 : i32
        scf.if %cond3A_216 {
          %add3A_251 = arith.constant 2 : i32
          %add3A_252 = arith.addi %scan3A_151, %add3A_251 : i32
          %mul3A_253 = arith.constant 640 : i32
          %mul3A_254 = arith.muli %add3A_252, %mul3A_253 : i32
          %add3A_255 = arith.addi %mul3A_4, %mul3A_254 : i32
          %dma_start3A_256 = arith.constant 0 : i32
          %dma_start3A_257 = arith.constant 0 : i32
          %dma_start3A_258 = arith.constant 0 : i32
          %dma_start3A_259 = tpu.memref_slice %arg6[%dma_start3A_256, %dma_start3A_258] : memref<2x640xi32, #tpu.memory_space<vmem>> -> memref<1x640xi32, #tpu.memory_space<vmem>>
          %dma_start3A_260 = tpu.memref_squeeze %dma_start3A_259 : memref<1x640xi32, #tpu.memory_space<vmem>> -> memref<640xi32, #tpu.memory_space<vmem>>
          %dma_start3A_261 = tpu.memref_slice %arg3[%add3A_255] : memref<640000xi32, #tpu.memory_space<hbm>> -> memref<640xi32, #tpu.memory_space<hbm>>
          %dma_start3A_262 = tpu.memref_slice %arg11[%dma_start3A_257] : memref<2x!tpu.dma_semaphore, #tpu.memory_space<semaphore_mem>> -> memref<1x!tpu.dma_semaphore, #tpu.memory_space<semaphore_mem>>
          %dma_start3A_263 = tpu.memref_squeeze %dma_start3A_262 : memref<1x!tpu.dma_semaphore, #tpu.memory_space<semaphore_mem>> -> memref<!tpu.dma_semaphore, #tpu.memory_space<semaphore_mem>>
          %dma_start3A_264 = arith.constant 0 : i32
          %dma_start3A_265 = tpu.memref_slice %arg6[%dma_start3A_256, %dma_start3A_264] : memref<2x640xi32, #tpu.memory_space<vmem>> -> memref<1x640xi32, #tpu.memory_space<vmem>>
          %dma_start3A_266 = tpu.memref_squeeze %dma_start3A_265 : memref<1x640xi32, #tpu.memory_space<vmem>> -> memref<640xi32, #tpu.memory_space<vmem>>
          %dma_start3A_267 = tpu.memref_slice %arg3[%add3A_255] : memref<640000xi32, #tpu.memory_space<hbm>> -> memref<640xi32, #tpu.memory_space<hbm>>
          tpu.enqueue_dma source(%dma_start3A_267 : memref<640xi32, #tpu.memory_space<hbm>>) target(%dma_start3A_266 : memref<640xi32, #tpu.memory_space<vmem>>) target_semaphore(%dma_start3A_263 : memref<!tpu.dma_semaphore, #tpu.memory_space<semaphore_mem>>)
        } else {
        }
        %add3A_217 = arith.constant 2 : i32
        %add3A_218 = arith.addi %scan3A_151, %add3A_217 : i32
        %eq3A_219 = arith.constant 31 : i32
        %eq3A_220 = arith.cmpi eq, %add3A_218, %eq3A_219 : i32
        %convert_element_type3A_221 = arith.extui %eq3A_220 : i1 to i32
        %cond3A_222 = arith.constant 0 : i32
        %cond3A_223 = arith.cmpi ne, %convert_element_type3A_221, %cond3A_222 : i32
        scf.if %cond3A_223 {
          %add3A_251 = arith.constant 19840 : i32
          %add3A_252 = arith.addi %mul3A_4, %add3A_251 : i32
          %dma_start3A_253 = arith.constant 0 : i32
          %dma_start3A_254 = arith.constant 0 : i32
          %dma_start3A_255 = arith.constant 0 : i32
          %dma_start3A_256 = tpu.memref_slice %arg6[%dma_start3A_253, %dma_start3A_255] : memref<2x640xi32, #tpu.memory_space<vmem>> -> memref<1x160xi32, #tpu.memory_space<vmem>>
          %dma_start3A_257 = tpu.memref_squeeze %dma_start3A_256 : memref<1x160xi32, #tpu.memory_space<vmem>> -> memref<160xi32, #tpu.memory_space<vmem>>
          %dma_start3A_258 = tpu.memref_slice %arg3[%add3A_252] : memref<640000xi32, #tpu.memory_space<hbm>> -> memref<160xi32, #tpu.memory_space<hbm>>
          %dma_start3A_259 = tpu.memref_slice %arg11[%dma_start3A_254] : memref<2x!tpu.dma_semaphore, #tpu.memory_space<semaphore_mem>> -> memref<1x!tpu.dma_semaphore, #tpu.memory_space<semaphore_mem>>
          %dma_start3A_260 = tpu.memref_squeeze %dma_start3A_259 : memref<1x!tpu.dma_semaphore, #tpu.memory_space<semaphore_mem>> -> memref<!tpu.dma_semaphore, #tpu.memory_space<semaphore_mem>>
          %dma_start3A_261 = arith.constant 0 : i32
          %dma_start3A_262 = tpu.memref_slice %arg6[%dma_start3A_253, %dma_start3A_261] : memref<2x640xi32, #tpu.memory_space<vmem>> -> memref<1x160xi32, #tpu.memory_space<vmem>>
          %dma_start3A_263 = tpu.memref_squeeze %dma_start3A_262 : memref<1x160xi32, #tpu.memory_space<vmem>> -> memref<160xi32, #tpu.memory_space<vmem>>
          %dma_start3A_264 = tpu.memref_slice %arg3[%add3A_252] : memref<640000xi32, #tpu.memory_space<hbm>> -> memref<160xi32, #tpu.memory_space<hbm>>
          tpu.enqueue_dma source(%dma_start3A_264 : memref<160xi32, #tpu.memory_space<hbm>>) target(%dma_start3A_263 : memref<160xi32, #tpu.memory_space<vmem>>) target_semaphore(%dma_start3A_260 : memref<!tpu.dma_semaphore, #tpu.memory_space<semaphore_mem>>)
        } else {
        }
        %ge3A = arith.constant 2 : i32
        %ge3A_224 = arith.cmpi sge, %scan3A_151, %ge3A : i32
        %convert_element_type3A_225 = arith.extui %ge3A_224 : i1 to i32
        %cond3A_226 = arith.constant 0 : i32
        %cond3A_227 = arith.cmpi ne, %convert_element_type3A_225, %cond3A_226 : i32
        scf.if %cond3A_227 {
          %sub3A = arith.constant 2 : i32
          %sub3A_251 = arith.subi %scan3A_151, %sub3A : i32
          %mul3A_252 = arith.constant 320 : i32
          %mul3A_253 = arith.muli %sub3A_251, %mul3A_252 : i32
          %add3A_254 = arith.addi %mul3A_2, %mul3A_253 : i32
          %dma_wait3A_255 = arith.constant 0 : i32
          %dma_wait3A_256 = arith.constant 0 : i32
          %dma_wait3A_257 = arith.constant 0 : i32
          %dma_wait3A_258 = tpu.memref_slice %arg8[%dma_wait3A_255, %dma_wait3A_257] : memref<2x320xf32, #tpu.memory_space<vmem>> -> memref<1x320xf32, #tpu.memory_space<vmem>>
          %dma_wait3A_259 = tpu.memref_squeeze %dma_wait3A_258 : memref<1x320xf32, #tpu.memory_space<vmem>> -> memref<320xf32, #tpu.memory_space<vmem>>
          %dma_wait3A_260 = tpu.memref_slice %arg4[%add3A_254] : memref<320000xf32, #tpu.memory_space<hbm>> -> memref<320xf32, #tpu.memory_space<hbm>>
          %dma_wait3A_261 = tpu.memref_slice %arg12[%dma_wait3A_256] : memref<2x!tpu.dma_semaphore, #tpu.memory_space<semaphore_mem>> -> memref<1x!tpu.dma_semaphore, #tpu.memory_space<semaphore_mem>>
          %dma_wait3A_262 = tpu.memref_squeeze %dma_wait3A_261 : memref<1x!tpu.dma_semaphore, #tpu.memory_space<semaphore_mem>> -> memref<!tpu.dma_semaphore, #tpu.memory_space<semaphore_mem>>
          %dma_wait3A_263 = tpu.memref_slice %arg4[%add3A_254] : memref<320000xf32, #tpu.memory_space<hbm>> -> memref<320xf32, #tpu.memory_space<hbm>>
          %dma_wait3A_264 = arith.constant 0 : i32
          %dma_wait3A_265 = tpu.memref_slice %arg8[%dma_wait3A_255, %dma_wait3A_264] : memref<2x320xf32, #tpu.memory_space<vmem>> -> memref<1x320xf32, #tpu.memory_space<vmem>>
          %dma_wait3A_266 = tpu.memref_squeeze %dma_wait3A_265 : memref<1x320xf32, #tpu.memory_space<vmem>> -> memref<320xf32, #tpu.memory_space<vmem>>
          tpu.wait_dma2 semaphore(%dma_wait3A_262 : memref<!tpu.dma_semaphore, #tpu.memory_space<semaphore_mem>>) src(%dma_wait3A_266 : memref<320xf32, #tpu.memory_space<vmem>>) dst(%dma_wait3A_263 : memref<320xf32, #tpu.memory_space<hbm>>)
        } else {
        }
        %scan3A_228 = arith.constant 0 : i32
        %scan3A_229 = arith.constant 0 : i32
        %scan3A_230 = arith.constant 0 : i32
        %scan3A_231 = arith.constant 0 : i32
        %scan3A_232 = arith.constant 10 : i32
        %scan3A_233 = arith.addi %scan3A_231, %scan3A_232 : i32
        %scan3A_234 = arith.constant 1 : i32
        scf.for %scan3A_251 = %scan3A_231 to %scan3A_233 step %scan3A_234  : i32 {
          %broadcast_in_dim3A = arith.constant 0.000000e+00 : f32
          %broadcast_in_dim3A_252 = vector.broadcast %broadcast_in_dim3A : f32 to vector<16xf32>
          %broadcast_in_dim3A_253 = arith.constant 0.000000e+00 : f32
          %broadcast_in_dim3A_254 = vector.broadcast %broadcast_in_dim3A_253 : f32 to vector<16xf32>
          %parallel_loop3A = arith.constant 0 : i32
          %parallel_loop3A_255 = arith.constant 32 : i32
          %parallel_loop3A_256 = arith.constant 1 : i32
          %parallel_loop3A_257:2 = scf.for %parallel_loop3A_275 = %parallel_loop3A to %parallel_loop3A_255 step %parallel_loop3A_256 iter_args(%parallel_loop3A_276 = %broadcast_in_dim3A_252, %parallel_loop3A_277 = %broadcast_in_dim3A_254) -> (vector<16xf32>, vector<16xf32>)  : i32 {
            %parallel_loop3A_278 = arith.constant 32 : i32
            %parallel_loop3A_279 = arith.muli %scan3A_251, %parallel_loop3A_278 : i32
            %parallel_loop3A_280 = arith.addi %parallel_loop3A_279, %parallel_loop3A_275 : i32
            %parallel_loop3A_281 = arith.constant 0 : i32
            %parallel_loop3A_282 = arith.constant 0 : i32
            %parallel_loop3A_283 = tpu.memref_slice %arg7[%scan3A_229, %parallel_loop3A_281, %parallel_loop3A_282] : memref<2x640x64xi32, #tpu.memory_space<vmem>> -> memref<1x640x64xi32, #tpu.memory_space<vmem>>
            %parallel_loop3A_284 = tpu.memref_squeeze %parallel_loop3A_283 : memref<1x640x64xi32, #tpu.memory_space<vmem>> -> memref<640x64xi32, #tpu.memory_space<vmem>>
            %parallel_loop3A_285 = arith.index_cast %parallel_loop3A_280 : i32 to index
            %parallel_loop3A_286 = arith.constant 0 : index
            %parallel_loop3A_287 = tpu.vector_load %parallel_loop3A_284[%parallel_loop3A_285, %parallel_loop3A_286] {strides = array<i32>} : memref<640x64xi32, #tpu.memory_space<vmem>>, vector<16xi32>,
            %parallel_loop3A_288 = arith.constant 320 : i32
            %parallel_loop3A_289 = arith.addi %parallel_loop3A_288, %parallel_loop3A_280 : i32
            %parallel_loop3A_290 = arith.constant 0 : i32
            %parallel_loop3A_291 = arith.constant 0 : i32
            %parallel_loop3A_292 = tpu.memref_slice %arg7[%scan3A_229, %parallel_loop3A_290, %parallel_loop3A_291] : memref<2x640x64xi32, #tpu.memory_space<vmem>> -> memref<1x640x64xi32, #tpu.memory_space<vmem>>
            %parallel_loop3A_293 = tpu.memref_squeeze %parallel_loop3A_292 : memref<1x640x64xi32, #tpu.memory_space<vmem>> -> memref<640x64xi32, #tpu.memory_space<vmem>>
            %parallel_loop3A_294 = arith.index_cast %parallel_loop3A_289 : i32 to index
            %parallel_loop3A_295 = arith.constant 0 : index
            %parallel_loop3A_296 = tpu.vector_load %parallel_loop3A_293[%parallel_loop3A_294, %parallel_loop3A_295] {strides = array<i32>} : memref<640x64xi32, #tpu.memory_space<vmem>>, vector<16xi32>,
            %parallel_loop3A_297 = vector.bitcast %parallel_loop3A_287 : vector<16xi32> to vector<32xbf16>
            %parallel_loop3A_298 = vector.bitcast %parallel_loop3A_296 : vector<16xi32> to vector<32xbf16>
            %parallel_loop3A_299 = arith.mulf %parallel_loop3A_297, %parallel_loop3A_298 : vector<32xbf16>
            %parallel_loop3A_300 = arith.constant 0 : i32
            %parallel_loop3A_301 = arith.constant 0 : i32
            %parallel_loop3A_302 = tpu.memref_slice %arg7[%scan3A_229, %parallel_loop3A_300, %parallel_loop3A_301] : memref<2x640x64xi32, #tpu.memory_space<vmem>> -> memref<1x640x64xi32, #tpu.memory_space<vmem>>
            %parallel_loop3A_303 = tpu.memref_squeeze %parallel_loop3A_302 : memref<1x640x64xi32, #tpu.memory_space<vmem>> -> memref<640x64xi32, #tpu.memory_space<vmem>>
            %parallel_loop3A_304 = arith.index_cast %parallel_loop3A_280 : i32 to index
            %parallel_loop3A_305 = arith.constant 16 : index
            %parallel_loop3A_306 = tpu.vector_load %parallel_loop3A_303[%parallel_loop3A_304, %parallel_loop3A_305] {strides = array<i32>} : memref<640x64xi32, #tpu.memory_space<vmem>>, vector<16xi32>,
            %parallel_loop3A_307 = arith.constant 320 : i32
            %parallel_loop3A_308 = arith.addi %parallel_loop3A_307, %parallel_loop3A_280 : i32
            %parallel_loop3A_309 = arith.constant 0 : i32
            %parallel_loop3A_310 = arith.constant 0 : i32
            %parallel_loop3A_311 = tpu.memref_slice %arg7[%scan3A_229, %parallel_loop3A_309, %parallel_loop3A_310] : memref<2x640x64xi32, #tpu.memory_space<vmem>> -> memref<1x640x64xi32, #tpu.memory_space<vmem>>
            %parallel_loop3A_312 = tpu.memref_squeeze %parallel_loop3A_311 : memref<1x640x64xi32, #tpu.memory_space<vmem>> -> memref<640x64xi32, #tpu.memory_space<vmem>>
            %parallel_loop3A_313 = arith.index_cast %parallel_loop3A_308 : i32 to index
            %parallel_loop3A_314 = arith.constant 16 : index
            %parallel_loop3A_315 = tpu.vector_load %parallel_loop3A_312[%parallel_loop3A_313, %parallel_loop3A_314] {strides = array<i32>} : memref<640x64xi32, #tpu.memory_space<vmem>>, vector<16xi32>,
            %parallel_loop3A_316 = vector.bitcast %parallel_loop3A_306 : vector<16xi32> to vector<32xbf16>
            %parallel_loop3A_317 = vector.bitcast %parallel_loop3A_315 : vector<16xi32> to vector<32xbf16>
            %parallel_loop3A_318 = arith.mulf %parallel_loop3A_316, %parallel_loop3A_317 : vector<32xbf16>
            %parallel_loop3A_319 = arith.addf %parallel_loop3A_299, %parallel_loop3A_318 : vector<32xbf16>
            %parallel_loop3A_320 = arith.constant 0 : i32
            %parallel_loop3A_321 = arith.constant 0 : i32
            %parallel_loop3A_322 = tpu.memref_slice %arg7[%scan3A_229, %parallel_loop3A_320, %parallel_loop3A_321] : memref<2x640x64xi32, #tpu.memory_space<vmem>> -> memref<1x640x64xi32, #tpu.memory_space<vmem>>
            %parallel_loop3A_323 = tpu.memref_squeeze %parallel_loop3A_322 : memref<1x640x64xi32, #tpu.memory_space<vmem>> -> memref<640x64xi32, #tpu.memory_space<vmem>>
            %parallel_loop3A_324 = arith.index_cast %parallel_loop3A_280 : i32 to index
            %parallel_loop3A_325 = arith.constant 32 : index
            %parallel_loop3A_326 = tpu.vector_load %parallel_loop3A_323[%parallel_loop3A_324, %parallel_loop3A_325] {strides = array<i32>} : memref<640x64xi32, #tpu.memory_space<vmem>>, vector<16xi32>,
            %parallel_loop3A_327 = arith.constant 320 : i32
            %parallel_loop3A_328 = arith.addi %parallel_loop3A_327, %parallel_loop3A_280 : i32
            %parallel_loop3A_329 = arith.constant 0 : i32
            %parallel_loop3A_330 = arith.constant 0 : i32
            %parallel_loop3A_331 = tpu.memref_slice %arg7[%scan3A_229, %parallel_loop3A_329, %parallel_loop3A_330] : memref<2x640x64xi32, #tpu.memory_space<vmem>> -> memref<1x640x64xi32, #tpu.memory_space<vmem>>
            %parallel_loop3A_332 = tpu.memref_squeeze %parallel_loop3A_331 : memref<1x640x64xi32, #tpu.memory_space<vmem>> -> memref<640x64xi32, #tpu.memory_space<vmem>>
            %parallel_loop3A_333 = arith.index_cast %parallel_loop3A_328 : i32 to index
            %parallel_loop3A_334 = arith.constant 32 : index
            %parallel_loop3A_335 = tpu.vector_load %parallel_loop3A_332[%parallel_loop3A_333, %parallel_loop3A_334] {strides = array<i32>} : memref<640x64xi32, #tpu.memory_space<vmem>>, vector<16xi32>,
            %parallel_loop3A_336 = vector.bitcast %parallel_loop3A_326 : vector<16xi32> to vector<32xbf16>
            %parallel_loop3A_337 = vector.bitcast %parallel_loop3A_335 : vector<16xi32> to vector<32xbf16>
            %parallel_loop3A_338 = arith.mulf %parallel_loop3A_336, %parallel_loop3A_337 : vector<32xbf16>
            %parallel_loop3A_339 = arith.addf %parallel_loop3A_319, %parallel_loop3A_338 : vector<32xbf16>
            %parallel_loop3A_340 = arith.constant 0 : i32
            %parallel_loop3A_341 = arith.constant 0 : i32
            %parallel_loop3A_342 = tpu.memref_slice %arg7[%scan3A_229, %parallel_loop3A_340, %parallel_loop3A_341] : memref<2x640x64xi32, #tpu.memory_space<vmem>> -> memref<1x640x64xi32, #tpu.memory_space<vmem>>
            %parallel_loop3A_343 = tpu.memref_squeeze %parallel_loop3A_342 : memref<1x640x64xi32, #tpu.memory_space<vmem>> -> memref<640x64xi32, #tpu.memory_space<vmem>>
            %parallel_loop3A_344 = arith.index_cast %parallel_loop3A_280 : i32 to index
            %parallel_loop3A_345 = arith.constant 48 : index
            %parallel_loop3A_346 = tpu.vector_load %parallel_loop3A_343[%parallel_loop3A_344, %parallel_loop3A_345] {strides = array<i32>} : memref<640x64xi32, #tpu.memory_space<vmem>>, vector<16xi32>,
            %parallel_loop3A_347 = arith.constant 320 : i32
            %parallel_loop3A_348 = arith.addi %parallel_loop3A_347, %parallel_loop3A_280 : i32
            %parallel_loop3A_349 = arith.constant 0 : i32
            %parallel_loop3A_350 = arith.constant 0 : i32
            %parallel_loop3A_351 = tpu.memref_slice %arg7[%scan3A_229, %parallel_loop3A_349, %parallel_loop3A_350] : memref<2x640x64xi32, #tpu.memory_space<vmem>> -> memref<1x640x64xi32, #tpu.memory_space<vmem>>
            %parallel_loop3A_352 = tpu.memref_squeeze %parallel_loop3A_351 : memref<1x640x64xi32, #tpu.memory_space<vmem>> -> memref<640x64xi32, #tpu.memory_space<vmem>>
            %parallel_loop3A_353 = arith.index_cast %parallel_loop3A_348 : i32 to index
            %parallel_loop3A_354 = arith.constant 48 : index
            %parallel_loop3A_355 = tpu.vector_load %parallel_loop3A_352[%parallel_loop3A_353, %parallel_loop3A_354] {strides = array<i32>} : memref<640x64xi32, #tpu.memory_space<vmem>>, vector<16xi32>,
            %parallel_loop3A_356 = vector.bitcast %parallel_loop3A_346 : vector<16xi32> to vector<32xbf16>
            %parallel_loop3A_357 = vector.bitcast %parallel_loop3A_355 : vector<16xi32> to vector<32xbf16>
            %parallel_loop3A_358 = arith.mulf %parallel_loop3A_356, %parallel_loop3A_357 : vector<32xbf16>
            %parallel_loop3A_359 = arith.addf %parallel_loop3A_339, %parallel_loop3A_358 : vector<32xbf16>
            %parallel_loop3A_360 = tpu.unpack_subelements %parallel_loop3A_359, 0 {pack_format = #tpu.pack_format<interleaved>} : vector<32xbf16> -> vector<16xf32>
            %parallel_loop3A_361 = tpu.unpack_subelements %parallel_loop3A_359, 1 {pack_format = #tpu.pack_format<interleaved>} : vector<32xbf16> -> vector<16xf32>
            %parallel_loop3A_362 = arith.addf %parallel_loop3A_360, %parallel_loop3A_361 : vector<16xf32>
            %parallel_loop3A_363 = arith.constant true
            %parallel_loop3A_364 = vector.broadcast %parallel_loop3A_363 : i1 to vector<16xi1>
            %parallel_loop3A_365 = tpu.scan <sum>, %parallel_loop3A_362 masked %parallel_loop3A_364 : vector<16xf32>, vector<16xi1> -> vector<16xf32>
            %parallel_loop3A_366 = vector.extract %parallel_loop3A_365[15] : f32 from vector<16xf32>
            %parallel_loop3A_367 = vector.broadcast %parallel_loop3A_366 : f32 to vector<16xf32>
            %parallel_loop3A_368 = arith.constant 0 : i32
            %parallel_loop3A_369 = arith.subi %parallel_loop3A_275, %parallel_loop3A_368 : i32
            %parallel_loop3A_370 = vector.broadcast %parallel_loop3A_369 : i32 to vector<16xi32>
            %parallel_loop3A_371 = arith.cmpi eq, %iota3A, %parallel_loop3A_370 : vector<16xi32>
            %parallel_loop3A_372 = arith.select %parallel_loop3A_371, %parallel_loop3A_367, %parallel_loop3A_276 : vector<16xi1>, vector<16xf32>
            %parallel_loop3A_373 = arith.constant 16 : i32
            %parallel_loop3A_374 = arith.subi %parallel_loop3A_275, %parallel_loop3A_373 : i32
            %parallel_loop3A_375 = vector.broadcast %parallel_loop3A_374 : i32 to vector<16xi32>
            %parallel_loop3A_376 = arith.cmpi eq, %iota3A, %parallel_loop3A_375 : vector<16xi32>
            %parallel_loop3A_377 = arith.select %parallel_loop3A_376, %parallel_loop3A_367, %parallel_loop3A_277 : vector<16xi1>, vector<16xf32>
            scf.yield %parallel_loop3A_372, %parallel_loop3A_377 : vector<16xf32>, vector<16xf32>
          } {sc.loop_unroll_factor = 4 : i64, sc.parallel_access}
          %mul3A_258 = arith.constant 32 : i32
          %mul3A_259 = arith.muli %scan3A_251, %mul3A_258 : i32
          %add3A_260 = arith.constant 0 : i32
          %add3A_261 = arith.addi %mul3A_259, %add3A_260 : i32
          %swap3A = arith.constant 0 : i32
          %swap3A_262 = tpu.memref_slice %arg8[%scan3A_230, %swap3A] : memref<2x320xf32, #tpu.memory_space<vmem>> -> memref<1x320xf32, #tpu.memory_space<vmem>>
          %swap3A_263 = tpu.memref_squeeze %swap3A_262 : memref<1x320xf32, #tpu.memory_space<vmem>> -> memref<320xf32, #tpu.memory_space<vmem>>
          %swap3A_264 = arith.index_cast %add3A_261 : i32 to index
          %swap3A_265 = tpu.vector_load %swap3A_263[%swap3A_264] {strides = array<i32>} : memref<320xf32, #tpu.memory_space<vmem>>, vector<16xf32>,
          tpu.vector_store %swap3A_263[%swap3A_264], %parallel_loop3A_257#0 {strides = array<i32>} : memref<320xf32, #tpu.memory_space<vmem>>, vector<16xf32>,
          %mul3A_266 = arith.constant 32 : i32
          %mul3A_267 = arith.muli %scan3A_251, %mul3A_266 : i32
          %add3A_268 = arith.constant 16 : i32
          %add3A_269 = arith.addi %mul3A_267, %add3A_268 : i32
          %swap3A_270 = arith.constant 0 : i32
          %swap3A_271 = tpu.memref_slice %arg8[%scan3A_230, %swap3A_270] : memref<2x320xf32, #tpu.memory_space<vmem>> -> memref<1x320xf32, #tpu.memory_space<vmem>>
          %swap3A_272 = tpu.memref_squeeze %swap3A_271 : memref<1x320xf32, #tpu.memory_space<vmem>> -> memref<320xf32, #tpu.memory_space<vmem>>
          %swap3A_273 = arith.index_cast %add3A_269 : i32 to index
          %swap3A_274 = tpu.vector_load %swap3A_272[%swap3A_273] {strides = array<i32>} : memref<320xf32, #tpu.memory_space<vmem>>, vector<16xf32>,
          tpu.vector_store %swap3A_272[%swap3A_273], %parallel_loop3A_257#1 {strides = array<i32>} : memref<320xf32, #tpu.memory_space<vmem>>, vector<16xf32>,
        }
        %scan3A_235 = arith.constant 10 : i32
        %mul3A_236 = arith.constant 320 : i32
        %mul3A_237 = arith.muli %scan3A_151, %mul3A_236 : i32
        %add3A_238 = arith.addi %mul3A_2, %mul3A_237 : i32
        %dma_start3A_239 = arith.constant 0 : i32
        %dma_start3A_240 = arith.constant 0 : i32
        %dma_start3A_241 = arith.constant 0 : i32
        %dma_start3A_242 = tpu.memref_slice %arg8[%dma_start3A_239, %dma_start3A_241] : memref<2x320xf32, #tpu.memory_space<vmem>> -> memref<1x320xf32, #tpu.memory_space<vmem>>
        %dma_start3A_243 = tpu.memref_squeeze %dma_start3A_242 : memref<1x320xf32, #tpu.memory_space<vmem>> -> memref<320xf32, #tpu.memory_space<vmem>>
        %dma_start3A_244 = tpu.memref_slice %arg4[%add3A_238] : memref<320000xf32, #tpu.memory_space<hbm>> -> memref<320xf32, #tpu.memory_space<hbm>>
        %dma_start3A_245 = tpu.memref_slice %arg12[%dma_start3A_240] : memref<2x!tpu.dma_semaphore, #tpu.memory_space<semaphore_mem>> -> memref<1x!tpu.dma_semaphore, #tpu.memory_space<semaphore_mem>>
        %dma_start3A_246 = tpu.memref_squeeze %dma_start3A_245 : memref<1x!tpu.dma_semaphore, #tpu.memory_space<semaphore_mem>> -> memref<!tpu.dma_semaphore, #tpu.memory_space<semaphore_mem>>
        %dma_start3A_247 = tpu.memref_slice %arg4[%add3A_238] : memref<320000xf32, #tpu.memory_space<hbm>> -> memref<320xf32, #tpu.memory_space<hbm>>
        %dma_start3A_248 = arith.constant 0 : i32
        %dma_start3A_249 = tpu.memref_slice %arg8[%dma_start3A_239, %dma_start3A_248] : memref<2x320xf32, #tpu.memory_space<vmem>> -> memref<1x320xf32, #tpu.memory_space<vmem>>
        %dma_start3A_250 = tpu.memref_squeeze %dma_start3A_249 : memref<1x320xf32, #tpu.memory_space<vmem>> -> memref<320xf32, #tpu.memory_space<vmem>>
        tpu.enqueue_dma source(%dma_start3A_250 : memref<320xf32, #tpu.memory_space<vmem>>) target(%dma_start3A_247 : memref<320xf32, #tpu.memory_space<hbm>>) target_semaphore(%dma_start3A_246 : memref<!tpu.dma_semaphore, #tpu.memory_space<semaphore_mem>>)
      } else {
      }
      %jit3A_167 = arith.constant 2 : i32
      %eq3A_168 = arith.constant 0 : i32
      %eq3A_169 = arith.cmpi eq, %jit3A_167, %eq3A_168 : i32
      %jit3A_170 = arith.constant 1 : i32
      %select_n3A_171 = arith.select %eq3A_169, %jit3A_170, %jit3A_167 : i32
      %rem3A_172 = arith.remsi %scan3A_151, %select_n3A_171 : i32
      %ne3A_173 = arith.constant 0 : i32
      %ne3A_174 = arith.cmpi ne, %rem3A_172, %ne3A_173 : i32
      %lt3A_175 = arith.constant 0 : i32
      %lt3A_176 = arith.cmpi slt, %rem3A_172, %lt3A_175 : i32
      %lt3A_177 = arith.constant 0 : i32
      %lt3A_178 = arith.cmpi slt, %select_n3A_171, %lt3A_177 : i32
      %ne3A_179 = arith.xori %lt3A_176, %lt3A_178 : i1
      %and3A_180 = arith.andi %ne3A_179, %ne3A_174 : i1
      %add3A_181 = arith.addi %rem3A_172, %select_n3A_171 : i32
      %select_n3A_182 = arith.select %and3A_180, %add3A_181, %rem3A_172 : i32
      %eq3A_183 = arith.constant 1 : i32
      %eq3A_184 = arith.cmpi eq, %select_n3A_182, %eq3A_183 : i32
      %convert_element_type3A_185 = arith.extui %eq3A_184 : i1 to i32
      %cond3A_186 = arith.constant 0 : i32
      %cond3A_187 = arith.cmpi ne, %convert_element_type3A_185, %cond3A_186 : i32
      scf.if %cond3A_187 {
        %dma_wait3A_188 = arith.constant 1 : i32
        %dma_wait3A_189 = arith.constant 1 : i32
        %dma_wait3A_190 = arith.constant 1 : i32
        %dma_wait3A_191 = arith.constant 0 : i32
        %dma_wait3A_192 = arith.constant 0 : i32
        %dma_wait3A_193 = tpu.memref_slice %arg7[%dma_wait3A_189, %dma_wait3A_191, %dma_wait3A_192] : memref<2x640x64xi32, #tpu.memory_space<vmem>> -> memref<1x640x64xi32, #tpu.memory_space<vmem>>
        %dma_wait3A_194 = tpu.memref_squeeze %dma_wait3A_193 : memref<1x640x64xi32, #tpu.memory_space<vmem>> -> memref<640x64xi32, #tpu.memory_space<vmem>>
        %dma_wait3A_195 = arith.constant 0 : i32
        %dma_wait3A_196 = tpu.memref_slice %arg6[%dma_wait3A_188, %dma_wait3A_195] : memref<2x640xi32, #tpu.memory_space<vmem>> -> memref<1x640xi32, #tpu.memory_space<vmem>>
        %dma_wait3A_197 = tpu.memref_squeeze %dma_wait3A_196 : memref<1x640xi32, #tpu.memory_space<vmem>> -> memref<640xi32, #tpu.memory_space<vmem>>
        %dma_wait3A_198 = arith.constant 0 : i32
        %dma_wait3A_199 = arith.constant 0 : i32
        %dma_wait3A_200 = tpu.memref_slice %arg5[%dma_wait3A_198, %dma_wait3A_199] : memref<10000x64xi32, #tpu.memory_space<vmem_shared>> -> memref<10000x64xi32, #tpu.memory_space<vmem_shared>>
        %dma_wait3A_201 = tpu.memref_slice %arg10[%dma_wait3A_190] : memref<2x!tpu.dma_semaphore, #tpu.memory_space<semaphore_mem>> -> memref<1x!tpu.dma_semaphore, #tpu.memory_space<semaphore_mem>>
        %dma_wait3A_202 = tpu.memref_squeeze %dma_wait3A_201 : memref<1x!tpu.dma_semaphore, #tpu.memory_space<semaphore_mem>> -> memref<!tpu.dma_semaphore, #tpu.memory_space<semaphore_mem>>
        tpu.wait_indirect_dma semaphore(%dma_wait3A_202 : memref<!tpu.dma_semaphore, #tpu.memory_space<semaphore_mem>>) src(%dma_wait3A_200 : memref<10000x64xi32, #tpu.memory_space<vmem_shared>>) dst(%dma_wait3A_194 : memref<640x64xi32, #tpu.memory_space<vmem>>)
        %add3A_203 = arith.constant 1 : i32
        %add3A_204 = arith.addi %scan3A_151, %add3A_203 : i32
        %lt3A_205 = arith.constant 31 : i32
        %lt3A_206 = arith.cmpi slt, %add3A_204, %lt3A_205 : i32
        %convert_element_type3A_207 = arith.extui %lt3A_206 : i1 to i32
        %cond3A_208 = arith.constant 0 : i32
        %cond3A_209 = arith.cmpi ne, %convert_element_type3A_207, %cond3A_208 : i32
        scf.if %cond3A_209 {
          %dma_wait3A_251 = arith.constant 0 : i32
          %dma_wait3A_252 = arith.constant 0 : i32
          %dma_wait3A_253 = arith.constant 0 : i32
          %dma_wait3A_254 = tpu.memref_slice %arg6[%dma_wait3A_251, %dma_wait3A_253] : memref<2x640xi32, #tpu.memory_space<vmem>> -> memref<1x640xi32, #tpu.memory_space<vmem>>
          %dma_wait3A_255 = tpu.memref_squeeze %dma_wait3A_254 : memref<1x640xi32, #tpu.memory_space<vmem>> -> memref<640xi32, #tpu.memory_space<vmem>>
          %dma_wait3A_256 = tpu.memref_slice %arg3[%mul3A_4] : memref<640000xi32, #tpu.memory_space<hbm>> -> memref<640xi32, #tpu.memory_space<hbm>>
          %dma_wait3A_257 = tpu.memref_slice %arg11[%dma_wait3A_252] : memref<2x!tpu.dma_semaphore, #tpu.memory_space<semaphore_mem>> -> memref<1x!tpu.dma_semaphore, #tpu.memory_space<semaphore_mem>>
          %dma_wait3A_258 = tpu.memref_squeeze %dma_wait3A_257 : memref<1x!tpu.dma_semaphore, #tpu.memory_space<semaphore_mem>> -> memref<!tpu.dma_semaphore, #tpu.memory_space<semaphore_mem>>
          %dma_wait3A_259 = arith.constant 0 : i32
          %dma_wait3A_260 = tpu.memref_slice %arg6[%dma_wait3A_251, %dma_wait3A_259] : memref<2x640xi32, #tpu.memory_space<vmem>> -> memref<1x640xi32, #tpu.memory_space<vmem>>
          %dma_wait3A_261 = tpu.memref_squeeze %dma_wait3A_260 : memref<1x640xi32, #tpu.memory_space<vmem>> -> memref<640xi32, #tpu.memory_space<vmem>>
          %dma_wait3A_262 = tpu.memref_slice %arg3[%mul3A_4] : memref<640000xi32, #tpu.memory_space<hbm>> -> memref<640xi32, #tpu.memory_space<hbm>>
          tpu.wait_dma2 semaphore(%dma_wait3A_258 : memref<!tpu.dma_semaphore, #tpu.memory_space<semaphore_mem>>) src(%dma_wait3A_262 : memref<640xi32, #tpu.memory_space<hbm>>) dst(%dma_wait3A_261 : memref<640xi32, #tpu.memory_space<vmem>>)
          %dma_start3A_263 = arith.constant 0 : i32
          %dma_start3A_264 = arith.constant 0 : i32
          %dma_start3A_265 = arith.constant 0 : i32
          %dma_start3A_266 = arith.constant 0 : i32
          %dma_start3A_267 = arith.constant 0 : i32
          %dma_start3A_268 = tpu.memref_slice %arg7[%dma_start3A_264, %dma_start3A_266, %dma_start3A_267] : memref<2x640x64xi32, #tpu.memory_space<vmem>> -> memref<1x640x64xi32, #tpu.memory_space<vmem>>
          %dma_start3A_269 = tpu.memref_squeeze %dma_start3A_268 : memref<1x640x64xi32, #tpu.memory_space<vmem>> -> memref<640x64xi32, #tpu.memory_space<vmem>>
          %dma_start3A_270 = arith.constant 0 : i32
          %dma_start3A_271 = tpu.memref_slice %arg6[%dma_start3A_263, %dma_start3A_270] : memref<2x640xi32, #tpu.memory_space<vmem>> -> memref<1x640xi32, #tpu.memory_space<vmem>>
          %dma_start3A_272 = tpu.memref_squeeze %dma_start3A_271 : memref<1x640xi32, #tpu.memory_space<vmem>> -> memref<640xi32, #tpu.memory_space<vmem>>
          %dma_start3A_273 = arith.constant 0 : i32
          %dma_start3A_274 = arith.constant 0 : i32
          %dma_start3A_275 = tpu.memref_slice %arg5[%dma_start3A_273, %dma_start3A_274] : memref<10000x64xi32, #tpu.memory_space<vmem_shared>> -> memref<10000x64xi32, #tpu.memory_space<vmem_shared>>
          %dma_start3A_276 = tpu.memref_slice %arg10[%dma_start3A_265] : memref<2x!tpu.dma_semaphore, #tpu.memory_space<semaphore_mem>> -> memref<1x!tpu.dma_semaphore, #tpu.memory_space<semaphore_mem>>
          %dma_start3A_277 = tpu.memref_squeeze %dma_start3A_276 : memref<1x!tpu.dma_semaphore, #tpu.memory_space<semaphore_mem>> -> memref<!tpu.dma_semaphore, #tpu.memory_space<semaphore_mem>>
          tpu.enqueue_indirect_dma source(%dma_start3A_275 : memref<10000x64xi32, #tpu.memory_space<vmem_shared>>) target(%dma_start3A_269 : memref<640x64xi32, #tpu.memory_space<vmem>>) offsets(%dma_start3A_272 : memref<640xi32, #tpu.memory_space<vmem>>) semaphore(%dma_start3A_277 : memref<!tpu.dma_semaphore, #tpu.memory_space<semaphore_mem>>)
        } else {
        }
        %add3A_210 = arith.constant 2 : i32
        %add3A_211 = arith.addi %scan3A_151, %add3A_210 : i32
        %lt3A_212 = arith.constant 31 : i32
        %lt3A_213 = arith.cmpi slt, %add3A_211, %lt3A_212 : i32
        %convert_element_type3A_214 = arith.extui %lt3A_213 : i1 to i32
        %cond3A_215 = arith.constant 0 : i32
        %cond3A_216 = arith.cmpi ne, %convert_element_type3A_214, %cond3A_215 : i32
        scf.if %cond3A_216 {
          %add3A_251 = arith.constant 2 : i32
          %add3A_252 = arith.addi %scan3A_151, %add3A_251 : i32
          %mul3A_253 = arith.constant 640 : i32
          %mul3A_254 = arith.muli %add3A_252, %mul3A_253 : i32
          %add3A_255 = arith.addi %mul3A_4, %mul3A_254 : i32
          %dma_start3A_256 = arith.constant 1 : i32
          %dma_start3A_257 = arith.constant 1 : i32
          %dma_start3A_258 = arith.constant 0 : i32
          %dma_start3A_259 = tpu.memref_slice %arg6[%dma_start3A_256, %dma_start3A_258] : memref<2x640xi32, #tpu.memory_space<vmem>> -> memref<1x640xi32, #tpu.memory_space<vmem>>
          %dma_start3A_260 = tpu.memref_squeeze %dma_start3A_259 : memref<1x640xi32, #tpu.memory_space<vmem>> -> memref<640xi32, #tpu.memory_space<vmem>>
          %dma_start3A_261 = tpu.memref_slice %arg3[%add3A_255] : memref<640000xi32, #tpu.memory_space<hbm>> -> memref<640xi32, #tpu.memory_space<hbm>>
          %dma_start3A_262 = tpu.memref_slice %arg11[%dma_start3A_257] : memref<2x!tpu.dma_semaphore, #tpu.memory_space<semaphore_mem>> -> memref<1x!tpu.dma_semaphore, #tpu.memory_space<semaphore_mem>>
          %dma_start3A_263 = tpu.memref_squeeze %dma_start3A_262 : memref<1x!tpu.dma_semaphore, #tpu.memory_space<semaphore_mem>> -> memref<!tpu.dma_semaphore, #tpu.memory_space<semaphore_mem>>
          %dma_start3A_264 = arith.constant 0 : i32
          %dma_start3A_265 = tpu.memref_slice %arg6[%dma_start3A_256, %dma_start3A_264] : memref<2x640xi32, #tpu.memory_space<vmem>> -> memref<1x640xi32, #tpu.memory_space<vmem>>
          %dma_start3A_266 = tpu.memref_squeeze %dma_start3A_265 : memref<1x640xi32, #tpu.memory_space<vmem>> -> memref<640xi32, #tpu.memory_space<vmem>>
          %dma_start3A_267 = tpu.memref_slice %arg3[%add3A_255] : memref<640000xi32, #tpu.memory_space<hbm>> -> memref<640xi32, #tpu.memory_space<hbm>>
          tpu.enqueue_dma source(%dma_start3A_267 : memref<640xi32, #tpu.memory_space<hbm>>) target(%dma_start3A_266 : memref<640xi32, #tpu.memory_space<vmem>>) target_semaphore(%dma_start3A_263 : memref<!tpu.dma_semaphore, #tpu.memory_space<semaphore_mem>>)
        } else {
        }
        %add3A_217 = arith.constant 2 : i32
        %add3A_218 = arith.addi %scan3A_151, %add3A_217 : i32
        %eq3A_219 = arith.constant 31 : i32
        %eq3A_220 = arith.cmpi eq, %add3A_218, %eq3A_219 : i32
        %convert_element_type3A_221 = arith.extui %eq3A_220 : i1 to i32
        %cond3A_222 = arith.constant 0 : i32
        %cond3A_223 = arith.cmpi ne, %convert_element_type3A_221, %cond3A_222 : i32
        scf.if %cond3A_223 {
          %add3A_251 = arith.constant 19840 : i32
          %add3A_252 = arith.addi %mul3A_4, %add3A_251 : i32
          %dma_start3A_253 = arith.constant 1 : i32
          %dma_start3A_254 = arith.constant 1 : i32
          %dma_start3A_255 = arith.constant 0 : i32
          %dma_start3A_256 = tpu.memref_slice %arg6[%dma_start3A_253, %dma_start3A_255] : memref<2x640xi32, #tpu.memory_space<vmem>> -> memref<1x160xi32, #tpu.memory_space<vmem>>
          %dma_start3A_257 = tpu.memref_squeeze %dma_start3A_256 : memref<1x160xi32, #tpu.memory_space<vmem>> -> memref<160xi32, #tpu.memory_space<vmem>>
          %dma_start3A_258 = tpu.memref_slice %arg3[%add3A_252] : memref<640000xi32, #tpu.memory_space<hbm>> -> memref<160xi32, #tpu.memory_space<hbm>>
          %dma_start3A_259 = tpu.memref_slice %arg11[%dma_start3A_254] : memref<2x!tpu.dma_semaphore, #tpu.memory_space<semaphore_mem>> -> memref<1x!tpu.dma_semaphore, #tpu.memory_space<semaphore_mem>>
          %dma_start3A_260 = tpu.memref_squeeze %dma_start3A_259 : memref<1x!tpu.dma_semaphore, #tpu.memory_space<semaphore_mem>> -> memref<!tpu.dma_semaphore, #tpu.memory_space<semaphore_mem>>
          %dma_start3A_261 = arith.constant 0 : i32
          %dma_start3A_262 = tpu.memref_slice %arg6[%dma_start3A_253, %dma_start3A_261] : memref<2x640xi32, #tpu.memory_space<vmem>> -> memref<1x160xi32, #tpu.memory_space<vmem>>
          %dma_start3A_263 = tpu.memref_squeeze %dma_start3A_262 : memref<1x160xi32, #tpu.memory_space<vmem>> -> memref<160xi32, #tpu.memory_space<vmem>>
          %dma_start3A_264 = tpu.memref_slice %arg3[%add3A_252] : memref<640000xi32, #tpu.memory_space<hbm>> -> memref<160xi32, #tpu.memory_space<hbm>>
          tpu.enqueue_dma source(%dma_start3A_264 : memref<160xi32, #tpu.memory_space<hbm>>) target(%dma_start3A_263 : memref<160xi32, #tpu.memory_space<vmem>>) target_semaphore(%dma_start3A_260 : memref<!tpu.dma_semaphore, #tpu.memory_space<semaphore_mem>>)
        } else {
        }
        %ge3A = arith.constant 2 : i32
        %ge3A_224 = arith.cmpi sge, %scan3A_151, %ge3A : i32
        %convert_element_type3A_225 = arith.extui %ge3A_224 : i1 to i32
        %cond3A_226 = arith.constant 0 : i32
        %cond3A_227 = arith.cmpi ne, %convert_element_type3A_225, %cond3A_226 : i32
        scf.if %cond3A_227 {
          %sub3A = arith.constant 2 : i32
          %sub3A_251 = arith.subi %scan3A_151, %sub3A : i32
          %mul3A_252 = arith.constant 320 : i32
          %mul3A_253 = arith.muli %sub3A_251, %mul3A_252 : i32
          %add3A_254 = arith.addi %mul3A_2, %mul3A_253 : i32
          %dma_wait3A_255 = arith.constant 1 : i32
          %dma_wait3A_256 = arith.constant 1 : i32
          %dma_wait3A_257 = arith.constant 0 : i32
          %dma_wait3A_258 = tpu.memref_slice %arg8[%dma_wait3A_255, %dma_wait3A_257] : memref<2x320xf32, #tpu.memory_space<vmem>> -> memref<1x320xf32, #tpu.memory_space<vmem>>
          %dma_wait3A_259 = tpu.memref_squeeze %dma_wait3A_258 : memref<1x320xf32, #tpu.memory_space<vmem>> -> memref<320xf32, #tpu.memory_space<vmem>>
          %dma_wait3A_260 = tpu.memref_slice %arg4[%add3A_254] : memref<320000xf32, #tpu.memory_space<hbm>> -> memref<320xf32, #tpu.memory_space<hbm>>
          %dma_wait3A_261 = tpu.memref_slice %arg12[%dma_wait3A_256] : memref<2x!tpu.dma_semaphore, #tpu.memory_space<semaphore_mem>> -> memref<1x!tpu.dma_semaphore, #tpu.memory_space<semaphore_mem>>
          %dma_wait3A_262 = tpu.memref_squeeze %dma_wait3A_261 : memref<1x!tpu.dma_semaphore, #tpu.memory_space<semaphore_mem>> -> memref<!tpu.dma_semaphore, #tpu.memory_space<semaphore_mem>>
          %dma_wait3A_263 = tpu.memref_slice %arg4[%add3A_254] : memref<320000xf32, #tpu.memory_space<hbm>> -> memref<320xf32, #tpu.memory_space<hbm>>
          %dma_wait3A_264 = arith.constant 0 : i32
          %dma_wait3A_265 = tpu.memref_slice %arg8[%dma_wait3A_255, %dma_wait3A_264] : memref<2x320xf32, #tpu.memory_space<vmem>> -> memref<1x320xf32, #tpu.memory_space<vmem>>
          %dma_wait3A_266 = tpu.memref_squeeze %dma_wait3A_265 : memref<1x320xf32, #tpu.memory_space<vmem>> -> memref<320xf32, #tpu.memory_space<vmem>>
          tpu.wait_dma2 semaphore(%dma_wait3A_262 : memref<!tpu.dma_semaphore, #tpu.memory_space<semaphore_mem>>) src(%dma_wait3A_266 : memref<320xf32, #tpu.memory_space<vmem>>) dst(%dma_wait3A_263 : memref<320xf32, #tpu.memory_space<hbm>>)
        } else {
        }
        %scan3A_228 = arith.constant 0 : i32
        %scan3A_229 = arith.constant 1 : i32
        %scan3A_230 = arith.constant 1 : i32
        %scan3A_231 = arith.constant 0 : i32
        %scan3A_232 = arith.constant 10 : i32
        %scan3A_233 = arith.addi %scan3A_231, %scan3A_232 : i32
        %scan3A_234 = arith.constant 1 : i32
        scf.for %scan3A_251 = %scan3A_231 to %scan3A_233 step %scan3A_234  : i32 {
          %broadcast_in_dim3A = arith.constant 0.000000e+00 : f32
          %broadcast_in_dim3A_252 = vector.broadcast %broadcast_in_dim3A : f32 to vector<16xf32>
          %broadcast_in_dim3A_253 = arith.constant 0.000000e+00 : f32
          %broadcast_in_dim3A_254 = vector.broadcast %broadcast_in_dim3A_253 : f32 to vector<16xf32>
          %parallel_loop3A = arith.constant 0 : i32
          %parallel_loop3A_255 = arith.constant 32 : i32
          %parallel_loop3A_256 = arith.constant 1 : i32
          %parallel_loop3A_257:2 = scf.for %parallel_loop3A_275 = %parallel_loop3A to %parallel_loop3A_255 step %parallel_loop3A_256 iter_args(%parallel_loop3A_276 = %broadcast_in_dim3A_252, %parallel_loop3A_277 = %broadcast_in_dim3A_254) -> (vector<16xf32>, vector<16xf32>)  : i32 {
            %parallel_loop3A_278 = arith.constant 32 : i32
            %parallel_loop3A_279 = arith.muli %scan3A_251, %parallel_loop3A_278 : i32
            %parallel_loop3A_280 = arith.addi %parallel_loop3A_279, %parallel_loop3A_275 : i32
            %parallel_loop3A_281 = arith.constant 0 : i32
            %parallel_loop3A_282 = arith.constant 0 : i32
            %parallel_loop3A_283 = tpu.memref_slice %arg7[%scan3A_229, %parallel_loop3A_281, %parallel_loop3A_282] : memref<2x640x64xi32, #tpu.memory_space<vmem>> -> memref<1x640x64xi32, #tpu.memory_space<vmem>>
            %parallel_loop3A_284 = tpu.memref_squeeze %parallel_loop3A_283 : memref<1x640x64xi32, #tpu.memory_space<vmem>> -> memref<640x64xi32, #tpu.memory_space<vmem>>
            %parallel_loop3A_285 = arith.index_cast %parallel_loop3A_280 : i32 to index
            %parallel_loop3A_286 = arith.constant 0 : index
            %parallel_loop3A_287 = tpu.vector_load %parallel_loop3A_284[%parallel_loop3A_285, %parallel_loop3A_286] {strides = array<i32>} : memref<640x64xi32, #tpu.memory_space<vmem>>, vector<16xi32>,
            %parallel_loop3A_288 = arith.constant 320 : i32
            %parallel_loop3A_289 = arith.addi %parallel_loop3A_288, %parallel_loop3A_280 : i32
            %parallel_loop3A_290 = arith.constant 0 : i32
            %parallel_loop3A_291 = arith.constant 0 : i32
            %parallel_loop3A_292 = tpu.memref_slice %arg7[%scan3A_229, %parallel_loop3A_290, %parallel_loop3A_291] : memref<2x640x64xi32, #tpu.memory_space<vmem>> -> memref<1x640x64xi32, #tpu.memory_space<vmem>>
            %parallel_loop3A_293 = tpu.memref_squeeze %parallel_loop3A_292 : memref<1x640x64xi32, #tpu.memory_space<vmem>> -> memref<640x64xi32, #tpu.memory_space<vmem>>
            %parallel_loop3A_294 = arith.index_cast %parallel_loop3A_289 : i32 to index
            %parallel_loop3A_295 = arith.constant 0 : index
            %parallel_loop3A_296 = tpu.vector_load %parallel_loop3A_293[%parallel_loop3A_294, %parallel_loop3A_295] {strides = array<i32>} : memref<640x64xi32, #tpu.memory_space<vmem>>, vector<16xi32>,
            %parallel_loop3A_297 = vector.bitcast %parallel_loop3A_287 : vector<16xi32> to vector<32xbf16>
            %parallel_loop3A_298 = vector.bitcast %parallel_loop3A_296 : vector<16xi32> to vector<32xbf16>
            %parallel_loop3A_299 = arith.mulf %parallel_loop3A_297, %parallel_loop3A_298 : vector<32xbf16>
            %parallel_loop3A_300 = arith.constant 0 : i32
            %parallel_loop3A_301 = arith.constant 0 : i32
            %parallel_loop3A_302 = tpu.memref_slice %arg7[%scan3A_229, %parallel_loop3A_300, %parallel_loop3A_301] : memref<2x640x64xi32, #tpu.memory_space<vmem>> -> memref<1x640x64xi32, #tpu.memory_space<vmem>>
            %parallel_loop3A_303 = tpu.memref_squeeze %parallel_loop3A_302 : memref<1x640x64xi32, #tpu.memory_space<vmem>> -> memref<640x64xi32, #tpu.memory_space<vmem>>
            %parallel_loop3A_304 = arith.index_cast %parallel_loop3A_280 : i32 to index
            %parallel_loop3A_305 = arith.constant 16 : index
            %parallel_loop3A_306 = tpu.vector_load %parallel_loop3A_303[%parallel_loop3A_304, %parallel_loop3A_305] {strides = array<i32>} : memref<640x64xi32, #tpu.memory_space<vmem>>, vector<16xi32>,
            %parallel_loop3A_307 = arith.constant 320 : i32
            %parallel_loop3A_308 = arith.addi %parallel_loop3A_307, %parallel_loop3A_280 : i32
            %parallel_loop3A_309 = arith.constant 0 : i32
            %parallel_loop3A_310 = arith.constant 0 : i32
            %parallel_loop3A_311 = tpu.memref_slice %arg7[%scan3A_229, %parallel_loop3A_309, %parallel_loop3A_310] : memref<2x640x64xi32, #tpu.memory_space<vmem>> -> memref<1x640x64xi32, #tpu.memory_space<vmem>>
            %parallel_loop3A_312 = tpu.memref_squeeze %parallel_loop3A_311 : memref<1x640x64xi32, #tpu.memory_space<vmem>> -> memref<640x64xi32, #tpu.memory_space<vmem>>
            %parallel_loop3A_313 = arith.index_cast %parallel_loop3A_308 : i32 to index
            %parallel_loop3A_314 = arith.constant 16 : index
            %parallel_loop3A_315 = tpu.vector_load %parallel_loop3A_312[%parallel_loop3A_313, %parallel_loop3A_314] {strides = array<i32>} : memref<640x64xi32, #tpu.memory_space<vmem>>, vector<16xi32>,
            %parallel_loop3A_316 = vector.bitcast %parallel_loop3A_306 : vector<16xi32> to vector<32xbf16>
            %parallel_loop3A_317 = vector.bitcast %parallel_loop3A_315 : vector<16xi32> to vector<32xbf16>
            %parallel_loop3A_318 = arith.mulf %parallel_loop3A_316, %parallel_loop3A_317 : vector<32xbf16>
            %parallel_loop3A_319 = arith.addf %parallel_loop3A_299, %parallel_loop3A_318 : vector<32xbf16>
            %parallel_loop3A_320 = arith.constant 0 : i32
            %parallel_loop3A_321 = arith.constant 0 : i32
            %parallel_loop3A_322 = tpu.memref_slice %arg7[%scan3A_229, %parallel_loop3A_320, %parallel_loop3A_321] : memref<2x640x64xi32, #tpu.memory_space<vmem>> -> memref<1x640x64xi32, #tpu.memory_space<vmem>>
            %parallel_loop3A_323 = tpu.memref_squeeze %parallel_loop3A_322 : memref<1x640x64xi32, #tpu.memory_space<vmem>> -> memref<640x64xi32, #tpu.memory_space<vmem>>
            %parallel_loop3A_324 = arith.index_cast %parallel_loop3A_280 : i32 to index
            %parallel_loop3A_325 = arith.constant 32 : index
            %parallel_loop3A_326 = tpu.vector_load %parallel_loop3A_323[%parallel_loop3A_324, %parallel_loop3A_325] {strides = array<i32>} : memref<640x64xi32, #tpu.memory_space<vmem>>, vector<16xi32>,
            %parallel_loop3A_327 = arith.constant 320 : i32
            %parallel_loop3A_328 = arith.addi %parallel_loop3A_327, %parallel_loop3A_280 : i32
            %parallel_loop3A_329 = arith.constant 0 : i32
            %parallel_loop3A_330 = arith.constant 0 : i32
            %parallel_loop3A_331 = tpu.memref_slice %arg7[%scan3A_229, %parallel_loop3A_329, %parallel_loop3A_330] : memref<2x640x64xi32, #tpu.memory_space<vmem>> -> memref<1x640x64xi32, #tpu.memory_space<vmem>>
            %parallel_loop3A_332 = tpu.memref_squeeze %parallel_loop3A_331 : memref<1x640x64xi32, #tpu.memory_space<vmem>> -> memref<640x64xi32, #tpu.memory_space<vmem>>
            %parallel_loop3A_333 = arith.index_cast %parallel_loop3A_328 : i32 to index
            %parallel_loop3A_334 = arith.constant 32 : index
            %parallel_loop3A_335 = tpu.vector_load %parallel_loop3A_332[%parallel_loop3A_333, %parallel_loop3A_334] {strides = array<i32>} : memref<640x64xi32, #tpu.memory_space<vmem>>, vector<16xi32>,
            %parallel_loop3A_336 = vector.bitcast %parallel_loop3A_326 : vector<16xi32> to vector<32xbf16>
            %parallel_loop3A_337 = vector.bitcast %parallel_loop3A_335 : vector<16xi32> to vector<32xbf16>
            %parallel_loop3A_338 = arith.mulf %parallel_loop3A_336, %parallel_loop3A_337 : vector<32xbf16>
            %parallel_loop3A_339 = arith.addf %parallel_loop3A_319, %parallel_loop3A_338 : vector<32xbf16>
            %parallel_loop3A_340 = arith.constant 0 : i32
            %parallel_loop3A_341 = arith.constant 0 : i32
            %parallel_loop3A_342 = tpu.memref_slice %arg7[%scan3A_229, %parallel_loop3A_340, %parallel_loop3A_341] : memref<2x640x64xi32, #tpu.memory_space<vmem>> -> memref<1x640x64xi32, #tpu.memory_space<vmem>>
            %parallel_loop3A_343 = tpu.memref_squeeze %parallel_loop3A_342 : memref<1x640x64xi32, #tpu.memory_space<vmem>> -> memref<640x64xi32, #tpu.memory_space<vmem>>
            %parallel_loop3A_344 = arith.index_cast %parallel_loop3A_280 : i32 to index
            %parallel_loop3A_345 = arith.constant 48 : index
            %parallel_loop3A_346 = tpu.vector_load %parallel_loop3A_343[%parallel_loop3A_344, %parallel_loop3A_345] {strides = array<i32>} : memref<640x64xi32, #tpu.memory_space<vmem>>, vector<16xi32>,
            %parallel_loop3A_347 = arith.constant 320 : i32
            %parallel_loop3A_348 = arith.addi %parallel_loop3A_347, %parallel_loop3A_280 : i32
            %parallel_loop3A_349 = arith.constant 0 : i32
            %parallel_loop3A_350 = arith.constant 0 : i32
            %parallel_loop3A_351 = tpu.memref_slice %arg7[%scan3A_229, %parallel_loop3A_349, %parallel_loop3A_350] : memref<2x640x64xi32, #tpu.memory_space<vmem>> -> memref<1x640x64xi32, #tpu.memory_space<vmem>>
            %parallel_loop3A_352 = tpu.memref_squeeze %parallel_loop3A_351 : memref<1x640x64xi32, #tpu.memory_space<vmem>> -> memref<640x64xi32, #tpu.memory_space<vmem>>
            %parallel_loop3A_353 = arith.index_cast %parallel_loop3A_348 : i32 to index
            %parallel_loop3A_354 = arith.constant 48 : index
            %parallel_loop3A_355 = tpu.vector_load %parallel_loop3A_352[%parallel_loop3A_353, %parallel_loop3A_354] {strides = array<i32>} : memref<640x64xi32, #tpu.memory_space<vmem>>, vector<16xi32>,
            %parallel_loop3A_356 = vector.bitcast %parallel_loop3A_346 : vector<16xi32> to vector<32xbf16>
            %parallel_loop3A_357 = vector.bitcast %parallel_loop3A_355 : vector<16xi32> to vector<32xbf16>
            %parallel_loop3A_358 = arith.mulf %parallel_loop3A_356, %parallel_loop3A_357 : vector<32xbf16>
            %parallel_loop3A_359 = arith.addf %parallel_loop3A_339, %parallel_loop3A_358 : vector<32xbf16>
            %parallel_loop3A_360 = tpu.unpack_subelements %parallel_loop3A_359, 0 {pack_format = #tpu.pack_format<interleaved>} : vector<32xbf16> -> vector<16xf32>
            %parallel_loop3A_361 = tpu.unpack_subelements %parallel_loop3A_359, 1 {pack_format = #tpu.pack_format<interleaved>} : vector<32xbf16> -> vector<16xf32>
            %parallel_loop3A_362 = arith.addf %parallel_loop3A_360, %parallel_loop3A_361 : vector<16xf32>
            %parallel_loop3A_363 = arith.constant true
            %parallel_loop3A_364 = vector.broadcast %parallel_loop3A_363 : i1 to vector<16xi1>
            %parallel_loop3A_365 = tpu.scan <sum>, %parallel_loop3A_362 masked %parallel_loop3A_364 : vector<16xf32>, vector<16xi1> -> vector<16xf32>
            %parallel_loop3A_366 = vector.extract %parallel_loop3A_365[15] : f32 from vector<16xf32>
            %parallel_loop3A_367 = vector.broadcast %parallel_loop3A_366 : f32 to vector<16xf32>
            %parallel_loop3A_368 = arith.constant 0 : i32
            %parallel_loop3A_369 = arith.subi %parallel_loop3A_275, %parallel_loop3A_368 : i32
            %parallel_loop3A_370 = vector.broadcast %parallel_loop3A_369 : i32 to vector<16xi32>
            %parallel_loop3A_371 = arith.cmpi eq, %iota3A, %parallel_loop3A_370 : vector<16xi32>
            %parallel_loop3A_372 = arith.select %parallel_loop3A_371, %parallel_loop3A_367, %parallel_loop3A_276 : vector<16xi1>, vector<16xf32>
            %parallel_loop3A_373 = arith.constant 16 : i32
            %parallel_loop3A_374 = arith.subi %parallel_loop3A_275, %parallel_loop3A_373 : i32
            %parallel_loop3A_375 = vector.broadcast %parallel_loop3A_374 : i32 to vector<16xi32>
            %parallel_loop3A_376 = arith.cmpi eq, %iota3A, %parallel_loop3A_375 : vector<16xi32>
            %parallel_loop3A_377 = arith.select %parallel_loop3A_376, %parallel_loop3A_367, %parallel_loop3A_277 : vector<16xi1>, vector<16xf32>
            scf.yield %parallel_loop3A_372, %parallel_loop3A_377 : vector<16xf32>, vector<16xf32>
          } {sc.loop_unroll_factor = 4 : i64, sc.parallel_access}
          %mul3A_258 = arith.constant 32 : i32
          %mul3A_259 = arith.muli %scan3A_251, %mul3A_258 : i32
          %add3A_260 = arith.constant 0 : i32
          %add3A_261 = arith.addi %mul3A_259, %add3A_260 : i32
          %swap3A = arith.constant 0 : i32
          %swap3A_262 = tpu.memref_slice %arg8[%scan3A_230, %swap3A] : memref<2x320xf32, #tpu.memory_space<vmem>> -> memref<1x320xf32, #tpu.memory_space<vmem>>
          %swap3A_263 = tpu.memref_squeeze %swap3A_262 : memref<1x320xf32, #tpu.memory_space<vmem>> -> memref<320xf32, #tpu.memory_space<vmem>>
          %swap3A_264 = arith.index_cast %add3A_261 : i32 to index
          %swap3A_265 = tpu.vector_load %swap3A_263[%swap3A_264] {strides = array<i32>} : memref<320xf32, #tpu.memory_space<vmem>>, vector<16xf32>,
          tpu.vector_store %swap3A_263[%swap3A_264], %parallel_loop3A_257#0 {strides = array<i32>} : memref<320xf32, #tpu.memory_space<vmem>>, vector<16xf32>,
          %mul3A_266 = arith.constant 32 : i32
          %mul3A_267 = arith.muli %scan3A_251, %mul3A_266 : i32
          %add3A_268 = arith.constant 16 : i32
          %add3A_269 = arith.addi %mul3A_267, %add3A_268 : i32
          %swap3A_270 = arith.constant 0 : i32
          %swap3A_271 = tpu.memref_slice %arg8[%scan3A_230, %swap3A_270] : memref<2x320xf32, #tpu.memory_space<vmem>> -> memref<1x320xf32, #tpu.memory_space<vmem>>
          %swap3A_272 = tpu.memref_squeeze %swap3A_271 : memref<1x320xf32, #tpu.memory_space<vmem>> -> memref<320xf32, #tpu.memory_space<vmem>>
          %swap3A_273 = arith.index_cast %add3A_269 : i32 to index
          %swap3A_274 = tpu.vector_load %swap3A_272[%swap3A_273] {strides = array<i32>} : memref<320xf32, #tpu.memory_space<vmem>>, vector<16xf32>,
          tpu.vector_store %swap3A_272[%swap3A_273], %parallel_loop3A_257#1 {strides = array<i32>} : memref<320xf32, #tpu.memory_space<vmem>>, vector<16xf32>,
        }
        %scan3A_235 = arith.constant 10 : i32
        %mul3A_236 = arith.constant 320 : i32
        %mul3A_237 = arith.muli %scan3A_151, %mul3A_236 : i32
        %add3A_238 = arith.addi %mul3A_2, %mul3A_237 : i32
        %dma_start3A_239 = arith.constant 1 : i32
        %dma_start3A_240 = arith.constant 1 : i32
        %dma_start3A_241 = arith.constant 0 : i32
        %dma_start3A_242 = tpu.memref_slice %arg8[%dma_start3A_239, %dma_start3A_241] : memref<2x320xf32, #tpu.memory_space<vmem>> -> memref<1x320xf32, #tpu.memory_space<vmem>>
        %dma_start3A_243 = tpu.memref_squeeze %dma_start3A_242 : memref<1x320xf32, #tpu.memory_space<vmem>> -> memref<320xf32, #tpu.memory_space<vmem>>
        %dma_start3A_244 = tpu.memref_slice %arg4[%add3A_238] : memref<320000xf32, #tpu.memory_space<hbm>> -> memref<320xf32, #tpu.memory_space<hbm>>
        %dma_start3A_245 = tpu.memref_slice %arg12[%dma_start3A_240] : memref<2x!tpu.dma_semaphore, #tpu.memory_space<semaphore_mem>> -> memref<1x!tpu.dma_semaphore, #tpu.memory_space<semaphore_mem>>
        %dma_start3A_246 = tpu.memref_squeeze %dma_start3A_245 : memref<1x!tpu.dma_semaphore, #tpu.memory_space<semaphore_mem>> -> memref<!tpu.dma_semaphore, #tpu.memory_space<semaphore_mem>>
        %dma_start3A_247 = tpu.memref_slice %arg4[%add3A_238] : memref<320000xf32, #tpu.memory_space<hbm>> -> memref<320xf32, #tpu.memory_space<hbm>>
        %dma_start3A_248 = arith.constant 0 : i32
        %dma_start3A_249 = tpu.memref_slice %arg8[%dma_start3A_239, %dma_start3A_248] : memref<2x320xf32, #tpu.memory_space<vmem>> -> memref<1x320xf32, #tpu.memory_space<vmem>>
        %dma_start3A_250 = tpu.memref_squeeze %dma_start3A_249 : memref<1x320xf32, #tpu.memory_space<vmem>> -> memref<320xf32, #tpu.memory_space<vmem>>
        tpu.enqueue_dma source(%dma_start3A_250 : memref<320xf32, #tpu.memory_space<vmem>>) target(%dma_start3A_247 : memref<320xf32, #tpu.memory_space<hbm>>) target_semaphore(%dma_start3A_246 : memref<!tpu.dma_semaphore, #tpu.memory_space<semaphore_mem>>)
      } else {
      }
    }
    %scan3A_43 = arith.constant 31 : i32
    %add3A_44 = arith.constant 19840 : i32
    %add3A_45 = arith.addi %mul3A_4, %add3A_44 : i32
    %dma_wait3A = arith.constant 1 : i32
    %dma_wait3A_46 = arith.constant 1 : i32
    %dma_wait3A_47 = arith.constant 0 : i32
    %dma_wait3A_48 = tpu.memref_slice %arg6[%dma_wait3A, %dma_wait3A_47] : memref<2x640xi32, #tpu.memory_space<vmem>> -> memref<1x160xi32, #tpu.memory_space<vmem>>
    %dma_wait3A_49 = tpu.memref_squeeze %dma_wait3A_48 : memref<1x160xi32, #tpu.memory_space<vmem>> -> memref<160xi32, #tpu.memory_space<vmem>>
    %dma_wait3A_50 = tpu.memref_slice %arg3[%add3A_45] : memref<640000xi32, #tpu.memory_space<hbm>> -> memref<160xi32, #tpu.memory_space<hbm>>
    %dma_wait3A_51 = tpu.memref_slice %arg11[%dma_wait3A_46] : memref<2x!tpu.dma_semaphore, #tpu.memory_space<semaphore_mem>> -> memref<1x!tpu.dma_semaphore, #tpu.memory_space<semaphore_mem>>
    %dma_wait3A_52 = tpu.memref_squeeze %dma_wait3A_51 : memref<1x!tpu.dma_semaphore, #tpu.memory_space<semaphore_mem>> -> memref<!tpu.dma_semaphore, #tpu.memory_space<semaphore_mem>>
    %dma_wait3A_53 = arith.constant 0 : i32
    %dma_wait3A_54 = tpu.memref_slice %arg6[%dma_wait3A, %dma_wait3A_53] : memref<2x640xi32, #tpu.memory_space<vmem>> -> memref<1x160xi32, #tpu.memory_space<vmem>>
    %dma_wait3A_55 = tpu.memref_squeeze %dma_wait3A_54 : memref<1x160xi32, #tpu.memory_space<vmem>> -> memref<160xi32, #tpu.memory_space<vmem>>
    %dma_wait3A_56 = tpu.memref_slice %arg3[%add3A_45] : memref<640000xi32, #tpu.memory_space<hbm>> -> memref<160xi32, #tpu.memory_space<hbm>>
    tpu.wait_dma2 semaphore(%dma_wait3A_52 : memref<!tpu.dma_semaphore, #tpu.memory_space<semaphore_mem>>) src(%dma_wait3A_56 : memref<160xi32, #tpu.memory_space<hbm>>) dst(%dma_wait3A_55 : memref<160xi32, #tpu.memory_space<vmem>>)
    %dma_start3A_57 = arith.constant 1 : i32
    %dma_start3A_58 = arith.constant 1 : i32
    %dma_start3A_59 = arith.constant 1 : i32
    %dma_start3A_60 = arith.constant 0 : i32
    %dma_start3A_61 = arith.constant 0 : i32
    %dma_start3A_62 = tpu.memref_slice %arg7[%dma_start3A_58, %dma_start3A_60, %dma_start3A_61] : memref<2x640x64xi32, #tpu.memory_space<vmem>> -> memref<1x160x64xi32, #tpu.memory_space<vmem>>
    %dma_start3A_63 = tpu.memref_squeeze %dma_start3A_62 : memref<1x160x64xi32, #tpu.memory_space<vmem>> -> memref<160x64xi32, #tpu.memory_space<vmem>>
    %dma_start3A_64 = arith.constant 0 : i32
    %dma_start3A_65 = tpu.memref_slice %arg6[%dma_start3A_57, %dma_start3A_64] : memref<2x640xi32, #tpu.memory_space<vmem>> -> memref<1x160xi32, #tpu.memory_space<vmem>>
    %dma_start3A_66 = tpu.memref_squeeze %dma_start3A_65 : memref<1x160xi32, #tpu.memory_space<vmem>> -> memref<160xi32, #tpu.memory_space<vmem>>
    %dma_start3A_67 = arith.constant 0 : i32
    %dma_start3A_68 = arith.constant 0 : i32
    %dma_start3A_69 = tpu.memref_slice %arg5[%dma_start3A_67, %dma_start3A_68] : memref<10000x64xi32, #tpu.memory_space<vmem_shared>> -> memref<10000x64xi32, #tpu.memory_space<vmem_shared>>
    %dma_start3A_70 = tpu.memref_slice %arg10[%dma_start3A_59] : memref<2x!tpu.dma_semaphore, #tpu.memory_space<semaphore_mem>> -> memref<1x!tpu.dma_semaphore, #tpu.memory_space<semaphore_mem>>
    %dma_start3A_71 = tpu.memref_squeeze %dma_start3A_70 : memref<1x!tpu.dma_semaphore, #tpu.memory_space<semaphore_mem>> -> memref<!tpu.dma_semaphore, #tpu.memory_space<semaphore_mem>>
    tpu.enqueue_indirect_dma source(%dma_start3A_69 : memref<10000x64xi32, #tpu.memory_space<vmem_shared>>) target(%dma_start3A_63 : memref<160x64xi32, #tpu.memory_space<vmem>>) offsets(%dma_start3A_66 : memref<160xi32, #tpu.memory_space<vmem>>) semaphore(%dma_start3A_71 : memref<!tpu.dma_semaphore, #tpu.memory_space<semaphore_mem>>)
    %dma_wait3A_72 = arith.constant 1 : i32
    %dma_wait3A_73 = arith.constant 1 : i32
    %dma_wait3A_74 = arith.constant 1 : i32
    %dma_wait3A_75 = arith.constant 0 : i32
    %dma_wait3A_76 = arith.constant 0 : i32
    %dma_wait3A_77 = tpu.memref_slice %arg7[%dma_wait3A_73, %dma_wait3A_75, %dma_wait3A_76] : memref<2x640x64xi32, #tpu.memory_space<vmem>> -> memref<1x160x64xi32, #tpu.memory_space<vmem>>
    %dma_wait3A_78 = tpu.memref_squeeze %dma_wait3A_77 : memref<1x160x64xi32, #tpu.memory_space<vmem>> -> memref<160x64xi32, #tpu.memory_space<vmem>>
    %dma_wait3A_79 = arith.constant 0 : i32
    %dma_wait3A_80 = tpu.memref_slice %arg6[%dma_wait3A_72, %dma_wait3A_79] : memref<2x640xi32, #tpu.memory_space<vmem>> -> memref<1x160xi32, #tpu.memory_space<vmem>>
    %dma_wait3A_81 = tpu.memref_squeeze %dma_wait3A_80 : memref<1x160xi32, #tpu.memory_space<vmem>> -> memref<160xi32, #tpu.memory_space<vmem>>
    %dma_wait3A_82 = arith.constant 0 : i32
    %dma_wait3A_83 = arith.constant 0 : i32
    %dma_wait3A_84 = tpu.memref_slice %arg5[%dma_wait3A_82, %dma_wait3A_83] : memref<10000x64xi32, #tpu.memory_space<vmem_shared>> -> memref<10000x64xi32, #tpu.memory_space<vmem_shared>>
    %dma_wait3A_85 = tpu.memref_slice %arg10[%dma_wait3A_74] : memref<2x!tpu.dma_semaphore, #tpu.memory_space<semaphore_mem>> -> memref<1x!tpu.dma_semaphore, #tpu.memory_space<semaphore_mem>>
    %dma_wait3A_86 = tpu.memref_squeeze %dma_wait3A_85 : memref<1x!tpu.dma_semaphore, #tpu.memory_space<semaphore_mem>> -> memref<!tpu.dma_semaphore, #tpu.memory_space<semaphore_mem>>
    tpu.wait_indirect_dma semaphore(%dma_wait3A_86 : memref<!tpu.dma_semaphore, #tpu.memory_space<semaphore_mem>>) src(%dma_wait3A_84 : memref<10000x64xi32, #tpu.memory_space<vmem_shared>>) dst(%dma_wait3A_78 : memref<160x64xi32, #tpu.memory_space<vmem>>)
    %add3A_87 = arith.constant 9280 : i32
    %add3A_88 = arith.addi %mul3A_2, %add3A_87 : i32
    %dma_wait3A_89 = arith.constant 1 : i32
    %dma_wait3A_90 = arith.constant 1 : i32
    %dma_wait3A_91 = arith.constant 0 : i32
    %dma_wait3A_92 = tpu.memref_slice %arg8[%dma_wait3A_89, %dma_wait3A_91] : memref<2x320xf32, #tpu.memory_space<vmem>> -> memref<1x320xf32, #tpu.memory_space<vmem>>
    %dma_wait3A_93 = tpu.memref_squeeze %dma_wait3A_92 : memref<1x320xf32, #tpu.memory_space<vmem>> -> memref<320xf32, #tpu.memory_space<vmem>>
    %dma_wait3A_94 = tpu.memref_slice %arg4[%add3A_88] : memref<320000xf32, #tpu.memory_space<hbm>> -> memref<320xf32, #tpu.memory_space<hbm>>
    %dma_wait3A_95 = tpu.memref_slice %arg12[%dma_wait3A_90] : memref<2x!tpu.dma_semaphore, #tpu.memory_space<semaphore_mem>> -> memref<1x!tpu.dma_semaphore, #tpu.memory_space<semaphore_mem>>
    %dma_wait3A_96 = tpu.memref_squeeze %dma_wait3A_95 : memref<1x!tpu.dma_semaphore, #tpu.memory_space<semaphore_mem>> -> memref<!tpu.dma_semaphore, #tpu.memory_space<semaphore_mem>>
    %dma_wait3A_97 = tpu.memref_slice %arg4[%add3A_88] : memref<320000xf32, #tpu.memory_space<hbm>> -> memref<320xf32, #tpu.memory_space<hbm>>
    %dma_wait3A_98 = arith.constant 0 : i32
    %dma_wait3A_99 = tpu.memref_slice %arg8[%dma_wait3A_89, %dma_wait3A_98] : memref<2x320xf32, #tpu.memory_space<vmem>> -> memref<1x320xf32, #tpu.memory_space<vmem>>
    %dma_wait3A_100 = tpu.memref_squeeze %dma_wait3A_99 : memref<1x320xf32, #tpu.memory_space<vmem>> -> memref<320xf32, #tpu.memory_space<vmem>>
    tpu.wait_dma2 semaphore(%dma_wait3A_96 : memref<!tpu.dma_semaphore, #tpu.memory_space<semaphore_mem>>) src(%dma_wait3A_100 : memref<320xf32, #tpu.memory_space<vmem>>) dst(%dma_wait3A_97 : memref<320xf32, #tpu.memory_space<hbm>>)
    %add3A_101 = arith.constant 9600 : i32
    %add3A_102 = arith.addi %mul3A_2, %add3A_101 : i32
    %dma_wait3A_103 = arith.constant 0 : i32
    %dma_wait3A_104 = arith.constant 0 : i32
    %dma_wait3A_105 = arith.constant 0 : i32
    %dma_wait3A_106 = tpu.memref_slice %arg8[%dma_wait3A_103, %dma_wait3A_105] : memref<2x320xf32, #tpu.memory_space<vmem>> -> memref<1x320xf32, #tpu.memory_space<vmem>>
    %dma_wait3A_107 = tpu.memref_squeeze %dma_wait3A_106 : memref<1x320xf32, #tpu.memory_space<vmem>> -> memref<320xf32, #tpu.memory_space<vmem>>
    %dma_wait3A_108 = tpu.memref_slice %arg4[%add3A_102] : memref<320000xf32, #tpu.memory_space<hbm>> -> memref<320xf32, #tpu.memory_space<hbm>>
    %dma_wait3A_109 = tpu.memref_slice %arg12[%dma_wait3A_104] : memref<2x!tpu.dma_semaphore, #tpu.memory_space<semaphore_mem>> -> memref<1x!tpu.dma_semaphore, #tpu.memory_space<semaphore_mem>>
    %dma_wait3A_110 = tpu.memref_squeeze %dma_wait3A_109 : memref<1x!tpu.dma_semaphore, #tpu.memory_space<semaphore_mem>> -> memref<!tpu.dma_semaphore, #tpu.memory_space<semaphore_mem>>
    %dma_wait3A_111 = tpu.memref_slice %arg4[%add3A_102] : memref<320000xf32, #tpu.memory_space<hbm>> -> memref<320xf32, #tpu.memory_space<hbm>>
    %dma_wait3A_112 = arith.constant 0 : i32
    %dma_wait3A_113 = tpu.memref_slice %arg8[%dma_wait3A_103, %dma_wait3A_112] : memref<2x320xf32, #tpu.memory_space<vmem>> -> memref<1x320xf32, #tpu.memory_space<vmem>>
    %dma_wait3A_114 = tpu.memref_squeeze %dma_wait3A_113 : memref<1x320xf32, #tpu.memory_space<vmem>> -> memref<320xf32, #tpu.memory_space<vmem>>
    tpu.wait_dma2 semaphore(%dma_wait3A_110 : memref<!tpu.dma_semaphore, #tpu.memory_space<semaphore_mem>>) src(%dma_wait3A_114 : memref<320xf32, #tpu.memory_space<vmem>>) dst(%dma_wait3A_111 : memref<320xf32, #tpu.memory_space<hbm>>)
    %scan3A_115 = arith.constant 0 : i32
    %scan3A_116 = arith.constant 1 : i32
    %scan3A_117 = arith.constant 1 : i32
    %scan3A_118 = arith.constant 0 : i32
    %scan3A_119 = arith.constant 5 : i32
    %scan3A_120 = arith.addi %scan3A_118, %scan3A_119 : i32
    %scan3A_121 = arith.constant 1 : i32
    scf.for %scan3A_151 = %scan3A_118 to %scan3A_120 step %scan3A_121  : i32 {
      %broadcast_in_dim3A = arith.constant 0.000000e+00 : f32
      %broadcast_in_dim3A_152 = vector.broadcast %broadcast_in_dim3A : f32 to vector<16xf32>
      %parallel_loop3A = arith.constant 0 : i32
      %parallel_loop3A_153 = arith.constant 16 : i32
      %parallel_loop3A_154 = arith.constant 1 : i32
      %parallel_loop3A_155 = scf.for %parallel_loop3A_164 = %parallel_loop3A to %parallel_loop3A_153 step %parallel_loop3A_154 iter_args(%parallel_loop3A_165 = %broadcast_in_dim3A_152) -> (vector<16xf32>)  : i32 {
        %parallel_loop3A_166 = arith.constant 16 : i32
        %parallel_loop3A_167 = arith.muli %scan3A_151, %parallel_loop3A_166 : i32
        %parallel_loop3A_168 = arith.addi %parallel_loop3A_167, %parallel_loop3A_164 : i32
        %parallel_loop3A_169 = arith.constant 0 : i32
        %parallel_loop3A_170 = arith.constant 0 : i32
        %parallel_loop3A_171 = tpu.memref_slice %arg7[%scan3A_116, %parallel_loop3A_169, %parallel_loop3A_170] : memref<2x640x64xi32, #tpu.memory_space<vmem>> -> memref<1x640x64xi32, #tpu.memory_space<vmem>>
        %parallel_loop3A_172 = tpu.memref_squeeze %parallel_loop3A_171 : memref<1x640x64xi32, #tpu.memory_space<vmem>> -> memref<640x64xi32, #tpu.memory_space<vmem>>
        %parallel_loop3A_173 = arith.index_cast %parallel_loop3A_168 : i32 to index
        %parallel_loop3A_174 = arith.constant 0 : index
        %parallel_loop3A_175 = tpu.vector_load %parallel_loop3A_172[%parallel_loop3A_173, %parallel_loop3A_174] {strides = array<i32>} : memref<640x64xi32, #tpu.memory_space<vmem>>, vector<16xi32>,
        %parallel_loop3A_176 = arith.constant 80 : i32
        %parallel_loop3A_177 = arith.addi %parallel_loop3A_176, %parallel_loop3A_168 : i32
        %parallel_loop3A_178 = arith.constant 0 : i32
        %parallel_loop3A_179 = arith.constant 0 : i32
        %parallel_loop3A_180 = tpu.memref_slice %arg7[%scan3A_116, %parallel_loop3A_178, %parallel_loop3A_179] : memref<2x640x64xi32, #tpu.memory_space<vmem>> -> memref<1x640x64xi32, #tpu.memory_space<vmem>>
        %parallel_loop3A_181 = tpu.memref_squeeze %parallel_loop3A_180 : memref<1x640x64xi32, #tpu.memory_space<vmem>> -> memref<640x64xi32, #tpu.memory_space<vmem>>
        %parallel_loop3A_182 = arith.index_cast %parallel_loop3A_177 : i32 to index
        %parallel_loop3A_183 = arith.constant 0 : index
        %parallel_loop3A_184 = tpu.vector_load %parallel_loop3A_181[%parallel_loop3A_182, %parallel_loop3A_183] {strides = array<i32>} : memref<640x64xi32, #tpu.memory_space<vmem>>, vector<16xi32>,
        %parallel_loop3A_185 = vector.bitcast %parallel_loop3A_175 : vector<16xi32> to vector<32xbf16>
        %parallel_loop3A_186 = vector.bitcast %parallel_loop3A_184 : vector<16xi32> to vector<32xbf16>
        %parallel_loop3A_187 = arith.mulf %parallel_loop3A_185, %parallel_loop3A_186 : vector<32xbf16>
        %parallel_loop3A_188 = arith.constant 0 : i32
        %parallel_loop3A_189 = arith.constant 0 : i32
        %parallel_loop3A_190 = tpu.memref_slice %arg7[%scan3A_116, %parallel_loop3A_188, %parallel_loop3A_189] : memref<2x640x64xi32, #tpu.memory_space<vmem>> -> memref<1x640x64xi32, #tpu.memory_space<vmem>>
        %parallel_loop3A_191 = tpu.memref_squeeze %parallel_loop3A_190 : memref<1x640x64xi32, #tpu.memory_space<vmem>> -> memref<640x64xi32, #tpu.memory_space<vmem>>
        %parallel_loop3A_192 = arith.index_cast %parallel_loop3A_168 : i32 to index
        %parallel_loop3A_193 = arith.constant 16 : index
        %parallel_loop3A_194 = tpu.vector_load %parallel_loop3A_191[%parallel_loop3A_192, %parallel_loop3A_193] {strides = array<i32>} : memref<640x64xi32, #tpu.memory_space<vmem>>, vector<16xi32>,
        %parallel_loop3A_195 = arith.constant 80 : i32
        %parallel_loop3A_196 = arith.addi %parallel_loop3A_195, %parallel_loop3A_168 : i32
        %parallel_loop3A_197 = arith.constant 0 : i32
        %parallel_loop3A_198 = arith.constant 0 : i32
        %parallel_loop3A_199 = tpu.memref_slice %arg7[%scan3A_116, %parallel_loop3A_197, %parallel_loop3A_198] : memref<2x640x64xi32, #tpu.memory_space<vmem>> -> memref<1x640x64xi32, #tpu.memory_space<vmem>>
        %parallel_loop3A_200 = tpu.memref_squeeze %parallel_loop3A_199 : memref<1x640x64xi32, #tpu.memory_space<vmem>> -> memref<640x64xi32, #tpu.memory_space<vmem>>
        %parallel_loop3A_201 = arith.index_cast %parallel_loop3A_196 : i32 to index
        %parallel_loop3A_202 = arith.constant 16 : index
        %parallel_loop3A_203 = tpu.vector_load %parallel_loop3A_200[%parallel_loop3A_201, %parallel_loop3A_202] {strides = array<i32>} : memref<640x64xi32, #tpu.memory_space<vmem>>, vector<16xi32>,
        %parallel_loop3A_204 = vector.bitcast %parallel_loop3A_194 : vector<16xi32> to vector<32xbf16>
        %parallel_loop3A_205 = vector.bitcast %parallel_loop3A_203 : vector<16xi32> to vector<32xbf16>
        %parallel_loop3A_206 = arith.mulf %parallel_loop3A_204, %parallel_loop3A_205 : vector<32xbf16>
        %parallel_loop3A_207 = arith.addf %parallel_loop3A_187, %parallel_loop3A_206 : vector<32xbf16>
        %parallel_loop3A_208 = arith.constant 0 : i32
        %parallel_loop3A_209 = arith.constant 0 : i32
        %parallel_loop3A_210 = tpu.memref_slice %arg7[%scan3A_116, %parallel_loop3A_208, %parallel_loop3A_209] : memref<2x640x64xi32, #tpu.memory_space<vmem>> -> memref<1x640x64xi32, #tpu.memory_space<vmem>>
        %parallel_loop3A_211 = tpu.memref_squeeze %parallel_loop3A_210 : memref<1x640x64xi32, #tpu.memory_space<vmem>> -> memref<640x64xi32, #tpu.memory_space<vmem>>
        %parallel_loop3A_212 = arith.index_cast %parallel_loop3A_168 : i32 to index
        %parallel_loop3A_213 = arith.constant 32 : index
        %parallel_loop3A_214 = tpu.vector_load %parallel_loop3A_211[%parallel_loop3A_212, %parallel_loop3A_213] {strides = array<i32>} : memref<640x64xi32, #tpu.memory_space<vmem>>, vector<16xi32>,
        %parallel_loop3A_215 = arith.constant 80 : i32
        %parallel_loop3A_216 = arith.addi %parallel_loop3A_215, %parallel_loop3A_168 : i32
        %parallel_loop3A_217 = arith.constant 0 : i32
        %parallel_loop3A_218 = arith.constant 0 : i32
        %parallel_loop3A_219 = tpu.memref_slice %arg7[%scan3A_116, %parallel_loop3A_217, %parallel_loop3A_218] : memref<2x640x64xi32, #tpu.memory_space<vmem>> -> memref<1x640x64xi32, #tpu.memory_space<vmem>>
        %parallel_loop3A_220 = tpu.memref_squeeze %parallel_loop3A_219 : memref<1x640x64xi32, #tpu.memory_space<vmem>> -> memref<640x64xi32, #tpu.memory_space<vmem>>
        %parallel_loop3A_221 = arith.index_cast %parallel_loop3A_216 : i32 to index
        %parallel_loop3A_222 = arith.constant 32 : index
        %parallel_loop3A_223 = tpu.vector_load %parallel_loop3A_220[%parallel_loop3A_221, %parallel_loop3A_222] {strides = array<i32>} : memref<640x64xi32, #tpu.memory_space<vmem>>, vector<16xi32>,
        %parallel_loop3A_224 = vector.bitcast %parallel_loop3A_214 : vector<16xi32> to vector<32xbf16>
        %parallel_loop3A_225 = vector.bitcast %parallel_loop3A_223 : vector<16xi32> to vector<32xbf16>
        %parallel_loop3A_226 = arith.mulf %parallel_loop3A_224, %parallel_loop3A_225 : vector<32xbf16>
        %parallel_loop3A_227 = arith.addf %parallel_loop3A_207, %parallel_loop3A_226 : vector<32xbf16>
        %parallel_loop3A_228 = arith.constant 0 : i32
        %parallel_loop3A_229 = arith.constant 0 : i32
        %parallel_loop3A_230 = tpu.memref_slice %arg7[%scan3A_116, %parallel_loop3A_228, %parallel_loop3A_229] : memref<2x640x64xi32, #tpu.memory_space<vmem>> -> memref<1x640x64xi32, #tpu.memory_space<vmem>>
        %parallel_loop3A_231 = tpu.memref_squeeze %parallel_loop3A_230 : memref<1x640x64xi32, #tpu.memory_space<vmem>> -> memref<640x64xi32, #tpu.memory_space<vmem>>
        %parallel_loop3A_232 = arith.index_cast %parallel_loop3A_168 : i32 to index
        %parallel_loop3A_233 = arith.constant 48 : index
        %parallel_loop3A_234 = tpu.vector_load %parallel_loop3A_231[%parallel_loop3A_232, %parallel_loop3A_233] {strides = array<i32>} : memref<640x64xi32, #tpu.memory_space<vmem>>, vector<16xi32>,
        %parallel_loop3A_235 = arith.constant 80 : i32
        %parallel_loop3A_236 = arith.addi %parallel_loop3A_235, %parallel_loop3A_168 : i32
        %parallel_loop3A_237 = arith.constant 0 : i32
        %parallel_loop3A_238 = arith.constant 0 : i32
        %parallel_loop3A_239 = tpu.memref_slice %arg7[%scan3A_116, %parallel_loop3A_237, %parallel_loop3A_238] : memref<2x640x64xi32, #tpu.memory_space<vmem>> -> memref<1x640x64xi32, #tpu.memory_space<vmem>>
        %parallel_loop3A_240 = tpu.memref_squeeze %parallel_loop3A_239 : memref<1x640x64xi32, #tpu.memory_space<vmem>> -> memref<640x64xi32, #tpu.memory_space<vmem>>
        %parallel_loop3A_241 = arith.index_cast %parallel_loop3A_236 : i32 to index
        %parallel_loop3A_242 = arith.constant 48 : index
        %parallel_loop3A_243 = tpu.vector_load %parallel_loop3A_240[%parallel_loop3A_241, %parallel_loop3A_242] {strides = array<i32>} : memref<640x64xi32, #tpu.memory_space<vmem>>, vector<16xi32>,
        %parallel_loop3A_244 = vector.bitcast %parallel_loop3A_234 : vector<16xi32> to vector<32xbf16>
        %parallel_loop3A_245 = vector.bitcast %parallel_loop3A_243 : vector<16xi32> to vector<32xbf16>
        %parallel_loop3A_246 = arith.mulf %parallel_loop3A_244, %parallel_loop3A_245 : vector<32xbf16>
        %parallel_loop3A_247 = arith.addf %parallel_loop3A_227, %parallel_loop3A_246 : vector<32xbf16>
        %parallel_loop3A_248 = tpu.unpack_subelements %parallel_loop3A_247, 0 {pack_format = #tpu.pack_format<interleaved>} : vector<32xbf16> -> vector<16xf32>
        %parallel_loop3A_249 = tpu.unpack_subelements %parallel_loop3A_247, 1 {pack_format = #tpu.pack_format<interleaved>} : vector<32xbf16> -> vector<16xf32>
        %parallel_loop3A_250 = arith.addf %parallel_loop3A_248, %parallel_loop3A_249 : vector<16xf32>
        %parallel_loop3A_251 = arith.constant true
        %parallel_loop3A_252 = vector.broadcast %parallel_loop3A_251 : i1 to vector<16xi1>
        %parallel_loop3A_253 = tpu.scan <sum>, %parallel_loop3A_250 masked %parallel_loop3A_252 : vector<16xf32>, vector<16xi1> -> vector<16xf32>
        %parallel_loop3A_254 = vector.extract %parallel_loop3A_253[15] : f32 from vector<16xf32>
        %parallel_loop3A_255 = vector.broadcast %parallel_loop3A_254 : f32 to vector<16xf32>
        %parallel_loop3A_256 = arith.constant 0 : i32
        %parallel_loop3A_257 = arith.subi %parallel_loop3A_164, %parallel_loop3A_256 : i32
        %parallel_loop3A_258 = vector.broadcast %parallel_loop3A_257 : i32 to vector<16xi32>
        %parallel_loop3A_259 = arith.cmpi eq, %iota3A, %parallel_loop3A_258 : vector<16xi32>
        %parallel_loop3A_260 = arith.select %parallel_loop3A_259, %parallel_loop3A_255, %parallel_loop3A_165 : vector<16xi1>, vector<16xf32>
        scf.yield %parallel_loop3A_260 : vector<16xf32>
      } {sc.loop_unroll_factor = 4 : i64, sc.parallel_access}
      %mul3A_156 = arith.constant 16 : i32
      %mul3A_157 = arith.muli %scan3A_151, %mul3A_156 : i32
      %add3A_158 = arith.constant 0 : i32
      %add3A_159 = arith.addi %mul3A_157, %add3A_158 : i32
      %swap3A = arith.constant 0 : i32
      %swap3A_160 = tpu.memref_slice %arg8[%scan3A_117, %swap3A] : memref<2x320xf32, #tpu.memory_space<vmem>> -> memref<1x320xf32, #tpu.memory_space<vmem>>
      %swap3A_161 = tpu.memref_squeeze %swap3A_160 : memref<1x320xf32, #tpu.memory_space<vmem>> -> memref<320xf32, #tpu.memory_space<vmem>>
      %swap3A_162 = arith.index_cast %add3A_159 : i32 to index
      %swap3A_163 = tpu.vector_load %swap3A_161[%swap3A_162] {strides = array<i32>} : memref<320xf32, #tpu.memory_space<vmem>>, vector<16xf32>,
      tpu.vector_store %swap3A_161[%swap3A_162], %parallel_loop3A_155 {strides = array<i32>} : memref<320xf32, #tpu.memory_space<vmem>>, vector<16xf32>,
    }
    %scan3A_122 = arith.constant 5 : i32
    %add3A_123 = arith.constant 9920 : i32
    %add3A_124 = arith.addi %mul3A_2, %add3A_123 : i32
    %dma_start3A_125 = arith.constant 1 : i32
    %dma_start3A_126 = arith.constant 1 : i32
    %dma_start3A_127 = arith.constant 0 : i32
    %dma_start3A_128 = tpu.memref_slice %arg8[%dma_start3A_125, %dma_start3A_127] : memref<2x320xf32, #tpu.memory_space<vmem>> -> memref<1x80xf32, #tpu.memory_space<vmem>>
    %dma_start3A_129 = tpu.memref_squeeze %dma_start3A_128 : memref<1x80xf32, #tpu.memory_space<vmem>> -> memref<80xf32, #tpu.memory_space<vmem>>
    %dma_start3A_130 = tpu.memref_slice %arg4[%add3A_124] : memref<320000xf32, #tpu.memory_space<hbm>> -> memref<80xf32, #tpu.memory_space<hbm>>
    %dma_start3A_131 = tpu.memref_slice %arg12[%dma_start3A_126] : memref<2x!tpu.dma_semaphore, #tpu.memory_space<semaphore_mem>> -> memref<1x!tpu.dma_semaphore, #tpu.memory_space<semaphore_mem>>
    %dma_start3A_132 = tpu.memref_squeeze %dma_start3A_131 : memref<1x!tpu.dma_semaphore, #tpu.memory_space<semaphore_mem>> -> memref<!tpu.dma_semaphore, #tpu.memory_space<semaphore_mem>>
    %dma_start3A_133 = tpu.memref_slice %arg4[%add3A_124] : memref<320000xf32, #tpu.memory_space<hbm>> -> memref<80xf32, #tpu.memory_space<hbm>>
    %dma_start3A_134 = arith.constant 0 : i32
    %dma_start3A_135 = tpu.memref_slice %arg8[%dma_start3A_125, %dma_start3A_134] : memref<2x320xf32, #tpu.memory_space<vmem>> -> memref<1x80xf32, #tpu.memory_space<vmem>>
    %dma_start3A_136 = tpu.memref_squeeze %dma_start3A_135 : memref<1x80xf32, #tpu.memory_space<vmem>> -> memref<80xf32, #tpu.memory_space<vmem>>
    tpu.enqueue_dma source(%dma_start3A_136 : memref<80xf32, #tpu.memory_space<vmem>>) target(%dma_start3A_133 : memref<80xf32, #tpu.memory_space<hbm>>) target_semaphore(%dma_start3A_132 : memref<!tpu.dma_semaphore, #tpu.memory_space<semaphore_mem>>)
    %add3A_137 = arith.constant 9920 : i32
    %add3A_138 = arith.addi %mul3A_2, %add3A_137 : i32
    %dma_wait3A_139 = arith.constant 1 : i32
    %dma_wait3A_140 = arith.constant 1 : i32
    %dma_wait3A_141 = arith.constant 0 : i32
    %dma_wait3A_142 = tpu.memref_slice %arg8[%dma_wait3A_139, %dma_wait3A_141] : memref<2x320xf32, #tpu.memory_space<vmem>> -> memref<1x80xf32, #tpu.memory_space<vmem>>
    %dma_wait3A_143 = tpu.memref_squeeze %dma_wait3A_142 : memref<1x80xf32, #tpu.memory_space<vmem>> -> memref<80xf32, #tpu.memory_space<vmem>>
    %dma_wait3A_144 = tpu.memref_slice %arg4[%add3A_138] : memref<320000xf32, #tpu.memory_space<hbm>> -> memref<80xf32, #tpu.memory_space<hbm>>
    %dma_wait3A_145 = tpu.memref_slice %arg12[%dma_wait3A_140] : memref<2x!tpu.dma_semaphore, #tpu.memory_space<semaphore_mem>> -> memref<1x!tpu.dma_semaphore, #tpu.memory_space<semaphore_mem>>
    %dma_wait3A_146 = tpu.memref_squeeze %dma_wait3A_145 : memref<1x!tpu.dma_semaphore, #tpu.memory_space<semaphore_mem>> -> memref<!tpu.dma_semaphore, #tpu.memory_space<semaphore_mem>>
    %dma_wait3A_147 = tpu.memref_slice %arg4[%add3A_138] : memref<320000xf32, #tpu.memory_space<hbm>> -> memref<80xf32, #tpu.memory_space<hbm>>
    %dma_wait3A_148 = arith.constant 0 : i32
    %dma_wait3A_149 = tpu.memref_slice %arg8[%dma_wait3A_139, %dma_wait3A_148] : memref<2x320xf32, #tpu.memory_space<vmem>> -> memref<1x80xf32, #tpu.memory_space<vmem>>
    %dma_wait3A_150 = tpu.memref_squeeze %dma_wait3A_149 : memref<1x80xf32, #tpu.memory_space<vmem>> -> memref<80xf32, #tpu.memory_space<vmem>>
    tpu.wait_dma2 semaphore(%dma_wait3A_146 : memref<!tpu.dma_semaphore, #tpu.memory_space<semaphore_mem>>) src(%dma_wait3A_150 : memref<80xf32, #tpu.memory_space<vmem>>) dst(%dma_wait3A_147 : memref<80xf32, #tpu.memory_space<hbm>>)
    return
  }
}

</mosaic_0001>

<sc_bundles>
// kernel: kernel.3.cloned.1.call-start
scs
__scs_entry_jumppad:
0x0: {  	(pc) =	sbr.rel $0x88, $3  }
0x1: {  	(tag) =	ssettag $0x0;
	lr =	simm.s32 $0x1  }
0x2: {  	[smem:$0x3F9F] =	sst lr;
	_ =	strace $0xD0000000  }
0x3: {  	_ = 	snop  }
0x4: {  	_ = 	snop  }
0x5: {  	_ = 	snop  }
0x6: {  	_ = 	snop  }
0x7: {  	_ = 	snop  }
__scs_overlays_trampoline_lowered:
0x8: {  	[smem:$0x3FAE] =	sst s0  }
0x9: {  	[smem:$0x3FAF] =	sst s1  }
0xa: {  	[smem:$0x3FB0] =	sst s2  }
0xb: {  	[smem:$0x3FB1] =	sst s3  }
0xc: {  	[smem:$0x3FB2] =	sst s4  }
0xd: {  	[smem:$0x3FB3] =	sst s5  }
0xe: {  	[smem:$0x3FB4] =	sst s6  }
0xf: {  	[smem:$0x3FB5] =	sst s7  }
0x10: {  	[smem:$0x3FB6] =	sst s8  }
0x11: {  	[smem:$0x3FB7] =	sst s9;
	s0 =	simm.s32 @!p0 $0x0  }
0x12: {  	s1 =	sld [smem:$0x3F9D];
	s0 =	simm.s32 @p0 $0x1  }
0x13: {  	[smem:$0x3FB8] =	sst s0;
	s0 =	simm.s32 @!p1 $0x0  }
0x14: {  	s2 =	sld [smem:$0x3F9C];
	s0 =	simm.s32 @p1 $0x1  }
0x15: {  	[smem:$0x3FB9] =	sst s0;
	s0 =	simm.s32 @!p2 $0x0  }
0x16: {  	s3 =	sld [smem:$0x3FDB];
	s0 =	simm.s32 @p2 $0x1  }
0x17: {  	s4 =	simm.s32 $0x1BF5;
	[smem:$0x3FBB] =	sst s0  }
0x18: {  	s0 =	sld [smem:$0x3F9E];
	_ =	swait.ge [sflag:s4], $0x0  }
0x19: {  	s7 =	sld [smem:$0x3F9F]  }
0x1a: {  	s8 =	sadd.s32 $0xFFFFE003, lr  }
0x1b: {  	s9 =	sadd.s32 $0xFFFFFEF7, lr;
	s5 =	simm.s32 $0xFFFFFFFF;
	p2 =	slt.u32 s8, $0xFFFFF086  }
0x1c: {  	p1 =	slt.u32 s9, $0xF7A;
	s5 =	simm.s32 @!p2 $0x0  }
0x1d: {  	s5 =	simm.s32 @p1 $0x1;
	p0 =	seq.s32 s7, s2  }
0x1e: {  	s7 =	smul.u32 @!p0 $0xF7A, s2;
	p2 =	seq.s32 @!p0 s5, $0x0  }
0x1f: {  	s9 =	smul.u32 $0xF7A, s1;
	s8 =	simm.s32 @!p0 $0x1BF5;
	p2 =	por !p2, p0  }
0x20: {  	[sflag:s8] =	ssyncset.s32 @!p0 $0xFFFFF086;
	s6 =	sadd.s32 @!p0 s3, s7;
	s7 =	simm.s32 @!p0 $0x108  }
0x21: {  	s3 =	sadd.s32 s3, s9;
	s6 =	sadd.s32 @!p0 $0x88, s6;
	s7 =	simm.s32 @p2 $0x1082  }
0x22: {  	[simem:s7], [sflag:s8] =	dma.local @!p0 [hbm:s6], $0xF7A  }
0x23: {  	s9 =	sor.u32 $0xD0000000, s2;
	s6 =	simm.s32 $0x108;
	_ =	swait.ge @!p0 [sflag:s8], $0x0  }
0x24: {  	s3 =	sadd.s32 $0x88, s3;
	s6 =	simm.s32 @!p1 $0x1082;
	[sflag:s4] =	ssyncset.s32 $0xFFFFF086  }
0x25: {  	[simem:s6], [sflag:s4] =	dma.local [hbm:s3], $0xF7A  }
0x26: {  	[smem:$0x3F9F] =	sst s1;
	(tag) =	ssettag s2;
	_ =	strace s9  }
0x27: {  	s1 =	sld [smem:$0x3FAF]  }
0x28: {  	s2 =	sld [smem:$0x3FB0]  }
0x29: {  	s4 =	sld [smem:$0x3FB2]  }
0x2a: {  	p0 =	seq.s32 s5, $0x0;
	s5 =	sld [smem:$0x3FB3]  }
0x2b: {  	s6 =	sld [smem:$0x3FB4]  }
0x2c: {  	s7 =	sld [smem:$0x3FB5]  }
0x2d: {  	s3 =	simm.s32 $0x108;
	s8 =	sld [smem:$0x3FB6]  }
0x2e: {  	s3 =	simm.s32 @!p0 $0x1082;
	s9 =	sld [smem:$0x3FB7]  }
0x2f: {  	lr =	sadd.s32 s0, s3;
	s0 =	sld [smem:$0x3FAE]  }
0x30: {  	s3 =	sld [smem:$0x3FB1]  }
0x31: {  	[smem:$0x3FBA] =	sst s10  }
0x32: {  	s10 =	sld [smem:$0x3FB8];
	_ =	sdelay $0x3  }
0x33: {  	p0 =	seq.s32 s10, $0x1;
	s10 =	sld [smem:$0x3FBA];
	_ =	sdelay $0x3  }
0x34: {  	[smem:$0x3FBA] =	sst s10  }
0x35: {  	s10 =	sld [smem:$0x3FB9];
	_ =	sdelay $0x3  }
0x36: {  	p1 =	seq.s32 s10, $0x1;
	s10 =	sld [smem:$0x3FBA];
	_ =	sdelay $0x3  }
0x37: {  	[smem:$0x3FBA] =	sst s10  }
0x38: {  	s10 =	sld [smem:$0x3FBB]  }
0x39: {  	_ = 	snop;
	(pc) =	sbr.ind lr, $3  }
0x3a: {  	_ = 	snop  }
0x3b: {  	_ = 	snop  }
0x3c: {  	p2 =	seq.s32 s10, $0x1;
	s10 =	sld [smem:$0x3FBA]  }
0x3d: {  	_ =	shalt  }
0x3e: {  	_ =	shalt  }
0x3f: {  	_ =	shalt  }
0x40: {  	_ =	shalt  }
0x41: {  	_ =	shalt  }
0x42: {  	_ =	shalt  }
0x43: {  	_ =	shalt  }
0x44: {  	_ =	shalt  }
0x45: {  	_ =	shalt  }
0x46: {  	_ =	shalt  }
0x47: {  	_ =	shalt  }
0x48: {  	_ =	shalt  }
0x49: {  	_ =	shalt  }
0x4a: {  	_ =	shalt  }
0x4b: {  	_ =	shalt  }
0x4c: {  	_ =	shalt  }
0x4d: {  	_ =	shalt  }
0x4e: {  	_ =	shalt  }
0x4f: {  	_ =	shalt  }
0x50: {  	_ =	shalt  }
0x51: {  	_ =	shalt  }
0x52: {  	_ =	shalt  }
0x53: {  	_ =	shalt  }
0x54: {  	_ =	shalt  }
0x55: {  	_ =	shalt  }
0x56: {  	_ =	shalt  }
0x57: {  	_ =	shalt  }
0x58: {  	_ =	shalt  }
0x59: {  	_ =	shalt  }
0x5a: {  	_ =	shalt  }
0x5b: {  	_ =	shalt  }
0x5c: {  	_ =	shalt  }
0x5d: {  	_ =	shalt  }
0x5e: {  	_ =	shalt  }
0x5f: {  	_ =	shalt  }
0x60: {  	_ =	shalt  }
0x61: {  	_ =	shalt  }
0x62: {  	_ =	shalt  }
0x63: {  	_ =	shalt  }
0x64: {  	_ =	shalt  }
0x65: {  	_ =	shalt  }
0x66: {  	_ =	shalt  }
0x67: {  	_ =	shalt  }
0x68: {  	_ =	shalt  }
0x69: {  	_ =	shalt  }
0x6a: {  	_ =	shalt  }
0x6b: {  	_ =	shalt  }
0x6c: {  	_ =	shalt  }
0x6d: {  	_ =	shalt  }
0x6e: {  	_ =	shalt  }
0x6f: {  	_ =	shalt  }
0x70: {  	_ =	shalt  }
0x71: {  	_ =	shalt  }
0x72: {  	_ =	shalt  }
0x73: {  	_ =	shalt  }
0x74: {  	_ =	shalt  }
0x75: {  	_ =	shalt  }
0x76: {  	_ =	shalt  }
0x77: {  	_ =	shalt  }
0x78: {  	_ =	shalt  }
0x79: {  	_ =	shalt  }
0x7a: {  	_ =	shalt  }
0x7b: {  	_ =	shalt  }
0x7c: {  	_ =	shalt  }
0x7d: {  	_ =	shalt  }
0x7e: {  	_ =	shalt  }
0x7f: {  	_ =	shalt  }
0x80: {  	_ =	shalt  }
0x81: {  	_ =	shalt  }
0x82: {  	_ =	shalt  }
0x83: {  	_ =	shalt  }
0x84: {  	_ =	shalt  }
0x85: {  	_ =	shalt  }
0x86: {  	_ =	shalt  }
0x87: {  	_ =	shalt  }
.Lfunc_end0:
.L_simem_size_0:
called_computation_lowered:
.L_overlay_start_0:
0x88: {  	s2 =	sld [smem:$0x3FD9]  }
0x89: {  	s3 =	sld [smem:$0x3FFE];
	_ =	sdelay $0x1  }
0x8a: {  	s1 =	srdreg.scid  }
0x8b: {  	s0 =	sand.u32 $0x1, s1  }
0x8c: {  	s17 =	sshll.u32 s0, $0xA;
	s2 =	sadd.s32 s3, s2  }
0x8d: {  	s2 =	sadd.s32 s2, s17  }
0x8e: {  	[smem:$0x3FC6] =	sst s2  }
0x8f: {  	_ = 	snop  }
0x90: {  	s2 =	sld [smem:$0x3FD0];
	(tm) =	ssettm $0x1  }
0x91: {  	s18 =	sld [smem:$0x3FFB];
	_ =	sdelay $0x3  }
0x92: {  	_ =	strace s18  }
0x93: {  	s3 =	sld [smem:$0x3FFC];
	_ =	sdelay $0x3  }
0x94: {  	_ =	strace s3  }
0x95: {  	s3 =	sld [smem:$0x3FFD];
	_ =	sdelay $0x3  }
0x96: {  	_ =	strace s3  }
0x97: {  	_ =	strace $0x8FFFFFFF  }
0x98: {  	s19 =	sld [smem:$0x3FDB];
	_ =	sdelay $0x1  }
0x99: {  	s4 =	simm.s32 $_scs_section_size  }
0x9a: {  	s5 =	simm.s32 $_size__tile_overlayer_lowered;
	s6 =	simm.s32 $_tile_overlayer_lowered  }
0x9b: {  	s22 =	simm.s32 $0x1BFF;
	s21 =	sshll.u32 s6, $0x1;
	s3 =	sadd.s32 s4, s19  }
0x9c: {  	s7 =	simm.s32 $0x0;
	s20 =	sshll.u32 s5, $0x1;
	s5 =	sadd.s32 s21, s3  }
0x9d: {  	[timem:s7], [sflag:s22] =	dma.local [hbm:s5], s20  }
0x9e: {  	_ =	swait.ge [sflag:s22], s20  }
0x9f: {  	s4 =	ssub.s32 $0x0, s20;
	[sflag:s22] =	ssyncset.done $0x0  }
0xa0: {  	[sflag:s22] =	ssyncadd.s32 s4;
	_ =	sdelay $0x1  }
0xa1: {  	s23 =	simm.s32 $0x1B8B  }
0xa2: {  	_ =	swait.ge [sflag:s23], $0x1  }
0xa3: {  	[sflag:s23] =	ssyncset.done $0x0  }
0xa4: {  	s25 =	simm.s32 $0x1B8E;
	s24 =	sld [smem:$0x3FFE];
	[sflag:s23] =	ssyncadd.s32 $0xFFFFFFFF  }
0xa5: {  	s26 =	simm.s32 $execute0_lowered;
	[smem:$0x3FD2] =	sst s25  }
0xa6: {  	s5 =	sshll.u32 s26, $0x1;
	_ =	strace $0x80000046;
	[dreg:$0x1] =	wrdreg $0xFFFFFFFF  }
0xa7: {  	s28 =	simm.s32 $_size_execute0_lowered;
	s3 =	sadd.s32 s3, s5;
	[dreg:$0x0] =	wrdreg $0x0  }
0xa8: {  	s5 =	sshll.u32 s28, $0x1;
	[dreg:$0x2] =	wrdreg s3  }
0xa9: {  	[dreg:$0x3] =	wrdreg s5  }
0xaa: {  	[dreg:$0x4] =	wrdreg $0xC0  }
0xab: {  	_ =	task [dreg:s7], $0x5FFFF  }
0xac: {  	[dreg:$0x1] =	wrdreg $0xFFFFFFFF  }
0xad: {  	[dreg:$0x0] =	wrdreg $0x60  }
0xae: {  	[dreg:$0x2] =	wrdreg s24  }
0xaf: {  	[dreg:$0x3] =	wrdreg s2  }
0xb0: {  	[dreg:$0x4] =	wrdreg $0x0  }
0xb1: {  	[dreg:$0x5] =	wrdreg $0x9  }
0xb2: {  	_ =	task.clear_ibuf [dreg:s7], $0x6FFFF;
	_ =	strace $0x90000046  }
0xb3: {  	s29 =	simm.s32 $0x9;
	_ =	strace $0x80000048  }
0xb4: {  	_ =	swait.ge [sflag:s29], $0x1  }
0xb5: {  	[sflag:s29] =	ssyncadd.s32 $0xFFFFFFFF  }
0xb6: {  	_ =	strace $0x90000048  }
0xb7: {  	_ =	sfence  }
0xb8: {  	s30 =	sld [smem:$0x0];
	_ =	sdelay $0x2  }
0xb9: {  	s31 =	sshll.u32 s1, $0xD;
	s1 =	sshrl.u32 s1, $0x2  }
0xba: {  	s3 =	sand.u32 $0x4000, s31;
	s1 =	sadd.s32 s1, s30  }
0xbb: {  	s0 =	sor.u32 s3, s0;
	s1 =	sshll.u32 s1, $0x11  }
0xbc: {  	s0 =	sor.u32 s1, s0  }
0xbd: {  	s0 =	sadd.s32 $0x8F2B, s0  }
0xbe: {  	[sflag:s0] =	ssyncadd.remote.s32 $0x1  }
0xbf: {  	_ =	sfence.sel $0xFFFF  }
0xc0: {  	[dreg:$0x0] =	wrdreg $0xFFFFFFFF;
	(pc) =	sbr.abs _section_cstart, $3  }
0xc1: {  	[dreg:$0x1] =	wrdreg $0xFFFFFFFF  }
0xc2: {  	_ =	task.clear_ibuf [dreg:s7], $0x2FFFF;
	_ =	strace $0x9FFFFFFF  }
0xc3: {  	(tm) =	ssettm $0x7FFFFFFF  }
tec
execute0_lowered:
.L_overlay_start_1:
0x0: {  	(tag) =	ssettag $0x1  }
0x1: {  	s0 =	rddreg [dreg:$0x0]  }
0x2: {  	s2 =	rddreg [dreg:$0x1]  }
0x3: {  	s3 =	rddreg [dreg:$0x2];
	s4 =	simm.s32 $0x0  }
0x4: {  	s12 =	stileid.u32;
	s5 =	srdreg.scid;
	s20 =	simm.s32 $0x9C40  }
0x5: {  	s28 =	simm.s32 $0x3;
	s29 =	simm.s32 $0x4;
	s30 =	simm.s32 $0x1E140  }
0x6: {  	[smem:$0x7FF] =	sst s4;
	s1 =	smul.u32 $0x9C00, s12;
	s5 =	sand.u32 $0x1, s5  }
0x7: {  	s7 =	sshll.u32 s12, $0x1;
	s21 =	sshll.u32 s12, $0x6;
	p0 =	sne.s32 s12, $0xF  }
0x8: {  	_ =	strace $0x80000047;
	s9 =	ssub.s32 $0x2, s5;
	s7 =	sor.u32 s5, s7  }
0x9: {  	s5 =	sadd.s32 $0xA00, s0;
	s6 =	sshrl.u32 s1, $0x3;
	s10 =	sshrl.u32 s9, $0x1  }
0xa: {  	s1 =	sadd.s32 s1, s3;
	s8 =	sadd.s32 s6, s0;
	s6 =	smul.u32 $0x4E20, s7  }
0xb: {  	s10 =	ssub.s32 s9, s10;
	s7 =	smul.u32 $0x2710, s7;
	s0 =	sadd.s32 $0x27E00, s0  }
0xc: {  	s31 =	sshrl.u32 s1, $0x3;
	s1 =	simm.s32 $0x1;
	[dreg:$0x7] =	wrdreg s0  }
0xd: {  	s8 =	sadd.s32 $0x14600, s8;
	s26 =	smax.u32 s10, $0x1;
	[dreg:$0xc] =	wrdreg s31  }
0xe: {  	[dreg:$0x4] =	wrdreg s8;
	s11 =	sshrl.u32 s6, $0x3;
	s8 =	sor.u32 $0x1C07, s21  }
0xf: {  	s24 =	sshrl.u32 s7, $0x3;
	s25 =	sadd.s32 $0x500, s6;
	[dreg:$0xb] =	wrdreg s26  }
0x10: {  	s21 =	simm.s32 $0x9EC0;
	s26 =	simm.s32 $0x1E280;
	[dreg:$0x5] =	wrdreg s8  }
0x11: {  	s8 =	sadd.s32 $0x9C000, s3;
	s22 =	sadd.s32 s5, s11;
	[dreg:$0x9] =	wrdreg s25  }
0x12: {  	s0 =	sadd.s32 s2, s24;
	s24 =	simm.s32 $0x2;
	s25 =	simm.s32 $0x6  }
0x13: {  	s23 =	sadd.s32 $0x50, s22;
	[dreg:$0x6] =	wrdreg s22;
	s13 =	sadd.s32 $0x9B0, s22  }
0x14: {  	s0 =	sadd.s32 $0x4D8, s0;
	s22 =	simm.s32 $0x280;
	[dreg:$0x8] =	wrdreg s23  }
0x15: {  	[dreg:$0xa] =	wrdreg s0;
	s0 =	sshrl.u32 @!p0 s8, $0x3;
	s23 =	simm.s32 $0xA140  }
0x16: {  	v0 =	vlaneseq.u32;
	s8 =	simm.s32 $0x0;
	[dreg:$0xd] =	wrdreg s0;
	s0 =	simm.s32 $0x5  }
.LBB2_1:
0x17: {  	s9 =	rddreg [dreg:$0x4]  }
0x18: {  	s10 =	rddreg [dreg:$0x5]  }
0x19: {  	s11 =	rddreg [dreg:$0xc];
	s18 =	simm.s32 $0x7  }
0x1a: {  	[spmem:s11], [sflag:s10] =	dma.local [hbm:s9], $0x1380  }
0x1b: {  	_ =	swait.ge [sflag:s18], $0x1380  }
0x1c: {  	[sflag:s18] =	ssyncset.done $0x0;
	s9 =	rddreg [dreg:$0x7]  }
0x1d: {  	s12 =	rddreg [dreg:$0xd];
	[sflag:s18] =	ssyncadd.s32 $0xFFFFEC80  }
0x1e: {  	[spmem:s12], [sflag:s10] =	dma.local @!p0 [hbm:s9], $0x80  }
0x1f: {  	s10 =	simm.s32 @!p0 $0x7  }
0x20: {  	_ =	swait.ge @!p0 [sflag:s10], $0x80  }
0x21: {  	[sflag:s10] =	ssyncset.done @!p0 $0x0  }
0x22: {  	s19 =	rddreg [dreg:$0x6];
	[sflag:s10] =	ssyncadd.s32 @!p0 $0xFFFFFF80  }
0x23: {  	[tilespmem:s20], [sflag:$0x7] =	stream.linear.gather [hbm4b:s19+s4], $0x280, $0x38;
	[tilespmem:$0x1E3C0] =	vst v63  }
0x24: {  	_ =	swait.ge [sflag:s18], $0x280  }
.Ltmp0:
0x25: {  	[sflag:s18] =	ssyncset.done $0x0;
	(pc) =	sbr.rel .LBB2_2-.Ltmp0, $4  }
0x26: {  	s31 =	rddreg [dreg:$0x8];
	[sflag:s18] =	ssyncadd.s32 $0xFFFFFD80  }
0x27: {  	[tilespmem:s21], [sflag:$0x4] =	stream.linear.gather [hbm4b:s31+s4], $0x280, $0x38;
	[tilespmem:$0x1E3C0] =	vst v63  }
0x28: {  	s11 =	simm.s32 $0x0;
	[bflag:$0x0] =	sbarrier.arrive $0xFFFF  }
0x29: {  	[tilespmem:s23], [sflag:$0x1] =	stream.indirect.gather [spmem:s3], $0x40, s20, s22, $0xb8;
	[tilespmem:$0x1E3C0] =	vst v63  }
.LBB2_23:
0x2a: {  	s11 =	sadd.s32 $0x1, s11  }
0x2b: {  	p1 =	sne.s32 s11, $0x1F  }
.Ltmp1:
0x2c: {  	_ = 	snop;
	(pc) =	sbr.rel @!p1 .LBB2_24-.Ltmp1, $1  }
0x2d: {  	_ =	sdelay $0x3  }
.LBB2_2:
0x2e: {  	s12 =	sand.u32 $0x1, s11  }
0x2f: {  	p1 =	seq.s32 s12, $0x1  }
.Ltmp2:
0x30: {  	_ = 	snop;
	(pc) =	sbr.rel @p1 .LBB2_13-.Ltmp2, $1  }
0x31: {  	_ =	sdelay $0x3  }
0x32: {  	p1 =	seq.s32 s11, $0x1E  }
.Ltmp3:
0x33: {  	_ = 	snop;
	(pc) =	sbr.rel @p1 .LBB2_7-.Ltmp3, $4  }
0x34: {  	_ = 	snop  }
0x35: {  	_ =	swait.ge [sflag:s1], $0xA000  }
0x36: {  	[sflag:s1] =	ssyncset.done $0x0  }
0x37: {  	[sflag:s1] =	ssyncadd.s32 $0xFFFF6000  }
0x38: {  	p1 =	slt.u32 s11, $0x1D  }
.Ltmp4:
0x39: {  	_ = 	snop;
	(pc) =	sbr.rel @!p1 .LBB2_5-.Ltmp4, $4  }
0x3a: {  	_ =	swait.ge [sflag:s29], $0x280  }
0x3b: {  	[sflag:s29] =	ssyncset.done $0x0  }
0x3c: {  	s9 =	simm.s32 $0x14140;
	[sflag:s29] =	ssyncadd.s32 $0xFFFFFD80  }
0x3d: {  	[tilespmem:s9], [sflag:$0x2] =	stream.indirect.gather [spmem:s3], $0x40, s21, s22, $0xb8;
	[tilespmem:$0x1E3C0] =	vst v63  }
0x3e: {  	s10 =	smul.u32 $0x280, s11;
	p1 =	slt.u32 s11, $0x2  }
.Ltmp5:
0x3f: {  	s9 =	rddreg [dreg:$0x9];
	(pc) =	sbr.rel @p1 .LBB2_8-.Ltmp5, $4  }
.Ltmp6:
0x40: {  	s10 =	sadd.s32 s10, s9;
	(pc) =	sbr.rel @!p1 .LBB2_7-.Ltmp6, $4  }
0x41: {  	s10 =	sshrl.u32 s10, $0x3  }
0x42: {  	s10 =	sadd.s32 s5, s10  }
0x43: {  	[tilespmem:s20], [sflag:$0x3] =	stream.linear.gather [hbm4b:s10+s4], $0x280, $0x38;
	[tilespmem:$0x1E3C0] =	vst v63  }
0x44: {  	_ = 	snop  }
.LBB2_5:
0x45: {  	[tilespmem:s20], [sflag:$0x3] =	stream.linear.gather [hbm4b:s13+s4], $0xA0, $0x38;
	[tilespmem:$0x1E3C0] =	vst v63  }
.LBB2_7:
0x46: {  	_ =	swait.ge [sflag:s0], $0x140  }
0x47: {  	[sflag:s0] =	ssyncset.done $0x0  }
0x48: {  	[sflag:s0] =	ssyncadd.s32 $0xFFFFFEC0  }
.LBB2_8:
0x49: {  	s15 =	simm.s32 $0x0;
	s19 =	simm.s32 $0xF230  }
.LBB2_9:
0x4a: {  	v6 =	vld [tilespmem:s19+$0xFFFFAFC0]  }
0x4b: {  	v8 =	vld [tilespmem:s19+$0xFFFFFFC0]  }
0x4c: {  	v7 =	vld [tilespmem:s19+$0xFFFFAF80]  }
0x4d: {  	v9 =	vld [tilespmem:s19+$0xFFFFFF80]  }
0x4e: {  	v3 =	vld [tilespmem:s19+$0xFFFFAFF0]  }
0x4f: {  	v4 =	vld [tilespmem:s19+$0xFFFFFFF0]  }
0x50: {  	v5 =	vld [tilespmem:s19+$0xFFFFAF40]  }
0x51: {  	v15 =	vld [tilespmem:s19+$0xFFFFAFB0]  }
0x52: {  	v16 =	vld [tilespmem:s19+$0xFFFFFFB0]  }
0x53: {  	v12 =	vld [tilespmem:s19+$0xFFFFAF70]  }
0x54: {  	v14 =	vld [tilespmem:s19+$0xFFFFFF70]  }
0x55: {  	v10 =	vld [tilespmem:s19+$0xFFFFAFD0]  }
0x56: {  	v11 =	vld [tilespmem:s19+$0xFFFFFFD0]  }
0x57: {  	v13 =	vld [tilespmem:s19+$0xFFFFAF30]  }
0x58: {  	v2 =	vld [tilespmem:s19+$0xFFFFAF90]  }
0x59: {  	v24 =	vld [tilespmem:s19+$0xFFFFFF90]  }
0x5a: {  	v26 =	vld [tilespmem:s19+$0xFFFFAFA0]  }
0x5b: {  	v27 =	vld [tilespmem:s19+$0xFFFFFFA0]  }
0x5c: {  	v17 =	vld [tilespmem:s19+$0xFFFFAF50]  }
0x5d: {  	v19 =	vld [tilespmem:s19+$0xFFFFFF50]  }
0x5e: {  	v20 =	vld [tilespmem:s19+$0xFFFFAF60]  }
0x5f: {  	v23 =	vld [tilespmem:s19+$0xFFFFFF60]  }
0x60: {  	v18 =	vld [tilespmem:s19+$0xFFFFAF10]  }
0x61: {  	v21 =	vld [tilespmem:s19+$0xFFFFFF10]  }
0x62: {  	v22 =	vld [tilespmem:s19+$0xFFFFAF20];
	v25 =	vmul.bf16 v24, v2;
	v26 =	vmul.bf16 v27, v26  }
0x63: {  	v1 =	vimm.f32 $0.0e+00;
	s10 =	simm.s32 $0x4;
	s16 =	smov.u32 s19;
	s17 =	simm.s32 $0x0;
	v24 =	vld [tilespmem:s19+$0xFFFFFF20];
	v2 =	vimm.f32 $0.0e+00  }
.LBB2_10:
0x64: {  	p1 =	slt.u32 s10, $0x1C;
	v27 =	vld [tilespmem:s16+$0xFFFFFF30];
	v25 =	vadd.bf16 v26, v25;
	v15 =	vmul.bf16 v16, v15  }
0x65: {  	v16 =	vmul.bf16 v19, v17;
	v17 =	vmul.bf16 v23, v20;
	v19 =	vld [tilespmem:s16+$0xFFFFAFE0]  }
0x66: {  	v6 =	vmul.bf16 v8, v6;
	v15 =	vadd.bf16 v15, v25;
	v20 =	vld [tilespmem:s16+$0xFFFFFFE0]  }
0x67: {  	v12 =	vmul.bf16 v14, v12;
	v7 =	vmul.bf16 v9, v7;
	v8 =	vadd.bf16 v17, v16;
	v23 =	vld [tilespmem:s16+$0xFFFFFF40]  }
0x68: {  	v9 =	vmul.bf16 v21, v18;
	v14 =	vmul.bf16 v24, v22;
	v15 =	vadd.bf16 v6, v15;
	v16 =	vld [tilespmem:s16+$0xFFFFB000]  }
0x69: {  	v10 =	vmul.bf16 v11, v10;
	v12 =	vadd.bf16 v12, v8;
	v13 =	vmul.bf16 v27, v13;
	v11 =	vld [tilespmem:s16+$0x0];
	s16 =	sadd.s32 $0x100, s16  }
0x6a: {  	v6 =	vld [tilespmem:s16+$0xFFFFAFC0];
	v9 =	vadd.bf16 v14, v9;
	v14 =	vunpack.i.u.bf16.f32 v15;
	v15 =	vunpack.i.l.bf16.f32 v15  }
0x6b: {  	v12 =	vadd.bf16 v7, v12;
	v8 =	vld [tilespmem:s16+$0xFFFFFFC0];
	v14 =	vadd.f32 v15, v14;
	v15 =	vmul.bf16 v20, v19  }
0x6c: {  	v17 =	vmul.bf16 v4, v3;
	v7 =	vld [tilespmem:s16+$0xFFFFAF80];
	v13 =	vadd.bf16 v13, v9;
	v5 =	vmul.bf16 v23, v5  }
0x6d: {  	v4 =	vunpack.i.u.bf16.f32 v12;
	v12 =	vunpack.i.l.bf16.f32 v12;
	v9 =	vld [tilespmem:s16+$0xFFFFFF80];
	v10 =	vadd.bf16 v15, v10;
	(xrf2) =	vadd.scan.msk.f32 $0xffff, v14  }
0x6e: {  	v12 =	vadd.f32 v12, v4;
	v3 =	vld [tilespmem:s16+$0xFFFFAFF0];
	v13 =	vadd.bf16 v5, v13  }
0x6f: {  	v11 =	vmul.bf16 v11, v16;
	v4 =	vld [tilespmem:s16+$0xFFFFFFF0];
	v10 =	vadd.bf16 v17, v10  }
0x70: {  	v5 =	vld [tilespmem:s16+$0xFFFFAF40];
	v14 =	vunpack.i.u.bf16.f32 v13;
	v13 =	vunpack.i.l.bf16.f32 v13;
	(xrf2) =	vadd.scan.msk.f32 $0xffff, v12  }
0x71: {  	v15 =	vld [tilespmem:s16+$0xFFFFAFB0];
	v13 =	vadd.f32 v13, v14;
	v10 =	vadd.bf16 v11, v10  }
0x72: {  	v16 =	vld [tilespmem:s16+$0xFFFFFFB0]  }
0x73: {  	v12 =	vld [tilespmem:s16+$0xFFFFAF70];
	v11 =	vunpack.i.u.bf16.f32 v10;
	v10 =	vunpack.i.l.bf16.f32 v10;
	(xrf2) =	vadd.scan.msk.f32 $0xffff, v13  }
0x74: {  	v14 =	vld [tilespmem:s16+$0xFFFFFF70];
	v13 =	vadd.f32 v10, v11  }
0x75: {  	v10 =	vld [tilespmem:s16+$0xFFFFAFD0]  }
0x76: {  	v11 =	vld [tilespmem:s16+$0xFFFFFFD0];
	(xrf2) =	vadd.scan.msk.f32 $0xffff, v13  }
0x77: {  	v13 =	vld [tilespmem:s16+$0xFFFFAF30];
	v21, _, _ =	vpop (xrf2)  }
0x78: {  	v18 =	vld [tilespmem:s16+$0xFFFFAF90]  }
0x79: {  	s9 =	sadd.s32 $0x2, s17;
	s18 =	sadd.s32 $0x3, s17;
	s14 =	sadd.s32 $0xFFFFFFF3, s17;
	v17 =	vmov s17;
	v22 =	vld [tilespmem:s16+$0xFFFFFF90]  }
0x7a: {  	s31 =	sadd.s32 $0x1, s17;
	v20 =	vmov s9;
	s9 =	sadd.s32 $0xFFFFFFF2, s17;
	v19 =	vmov s18;
	v23 =	vmov s14;
	v24 =	vld [tilespmem:s16+$0xFFFFAFA0];
	v26, _, _ =	vpop (xrf2)  }
0x7b: {  	v25 =	vmov s31;
	s18 =	sadd.s32 $0xFFFFFFF1, s17;
	s14 =	sadd.s32 $0xFFFFFFF0, s17;
	v28 =	vmov s9;
	s17 =	smov.u32 s10;
	vm1 =	veq.s32 v17, v0;
	v27 =	vld [tilespmem:s16+$0xFFFFFFA0]  }
0x7c: {  	v30 =	vmov s18;
	vm0 =	veq.s32 v19, v0;
	v29 =	vmov s14;
	v17 =	vld [tilespmem:s16+$0xFFFFAF50]  }
0x7d: {  	vm2 =	veq.s32 v20, v0;
	vm3 =	veq.s32 v28, v0;
	vm4 =	veq.s32 v23, v0;
	v19 =	vld [tilespmem:s16+$0xFFFFFF50];
	v23, _, _ =	vpop (xrf2)  }
0x7e: {  	vm5 =	veq.s32 v25, v0;
	vm6 =	veq.s32 v30, v0;
	v20 =	vld [tilespmem:s16+$0xFFFFAF60];
	v28 =	vbroadcast v23, $0xF  }
.Ltmp7:
0x7f: {  	vm7 =	veq.s32 v29, v0;
	v25 =	vmul.bf16 v22, v18;
	v22 =	vbroadcast v26, $0xF;
	v23 =	vld [tilespmem:s16+$0xFFFFFF60];
	(pc) =	sbr.rel @p1 .LBB2_10-.Ltmp7, $4  }
0x80: {  	v18 =	vld [tilespmem:s16+$0xFFFFAF10];
	v1 =	vsel vm1, v28, v1;
	v2 =	vsel vm7, v28, v2;
	v28 =	vbroadcast v21, $0xF;
	v26, _, _ =	vpop (xrf2)  }
0x81: {  	v21 =	vld [tilespmem:s16+$0xFFFFFF10];
	v1 =	vsel vm5, v22, v1;
	v2 =	vsel vm6, v22, v2;
	v29 =	vbroadcast v26, $0xF  }
0x82: {  	v26 =	vmul.bf16 v27, v24;
	v22 =	vld [tilespmem:s16+$0xFFFFAF20];
	v1 =	vsel vm2, v28, v1;
	v2 =	vsel vm3, v28, v2  }
0x83: {  	s10 =	sadd.s32 $0x4, s10;
	v24 =	vld [tilespmem:s16+$0xFFFFFF20];
	v1 =	vsel vm0, v29, v1;
	v2 =	vsel vm4, v29, v2  }
0x84: {  	v27 =	vld [tilespmem:s16+$0xFFFFFF30]  }
0x85: {  	v15 =	vmul.bf16 v16, v15;
	v34 =	vld [tilespmem:s16+$0xFFFFAFE0]  }
0x86: {  	v25 =	vadd.bf16 v26, v25;
	v17 =	vmul.bf16 v19, v17;
	v35 =	vmul.bf16 v23, v20;
	v36 =	vld [tilespmem:s16+$0xFFFFFFE0]  }
0x87: {  	v6 =	vmul.bf16 v8, v6;
	v37 =	vld [tilespmem:s16+$0xFFFFFF40];
	v12 =	vmul.bf16 v14, v12  }
0x88: {  	v41 =	vld [tilespmem:s16+$0xFFFFB000];
	v15 =	vadd.bf16 v15, v25;
	v39 =	vmul.bf16 v21, v18;
	v40 =	vmul.bf16 v24, v22  }
0x89: {  	v7 =	vmul.bf16 v9, v7;
	v42 =	vld [tilespmem:s16+$0x0];
	v10 =	vmul.bf16 v11, v10;
	v38 =	vadd.bf16 v35, v17  }
0x8a: {  	v6 =	vadd.bf16 v6, v15;
	v13 =	vmul.bf16 v27, v13;
	v43 =	vadd.bf16 v40, v39  }
0x8b: {  	v3 =	vmul.bf16 v4, v3;
	v12 =	vadd.bf16 v12, v38;
	v16 =	vmul.bf16 v36, v34  }
0x8c: {  	v5 =	vmul.bf16 v37, v5;
	v44 =	vunpack.i.u.bf16.f32 v6;
	v45 =	vadd.bf16 v13, v43  }
0x8d: {  	v7 =	vadd.bf16 v7, v12;
	v6 =	vunpack.i.l.bf16.f32 v6;
	v46 =	vadd.bf16 v16, v10  }
0x8e: {  	v48 =	vmul.bf16 v42, v41;
	v6 =	vadd.f32 v6, v44;
	v5 =	vadd.bf16 v5, v45  }
0x8f: {  	v47 =	vunpack.i.u.bf16.f32 v7;
	v7 =	vunpack.i.l.bf16.f32 v7;
	v3 =	vadd.bf16 v3, v46  }
0x90: {  	v7 =	vadd.f32 v7, v47;
	v49 =	vunpack.i.u.bf16.f32 v5;
	v5 =	vunpack.i.l.bf16.f32 v5  }
0x91: {  	(xrf2) =	vadd.scan.msk.f32 $0xffff, v6;
	v3 =	vadd.bf16 v48, v3;
	v5 =	vadd.f32 v5, v49  }
0x92: {  	(xrf2) =	vadd.scan.msk.f32 $0xffff, v7  }
0x93: {  	v4 =	vunpack.i.u.bf16.f32 v3;
	v3 =	vunpack.i.l.bf16.f32 v3;
	(xrf2) =	vadd.scan.msk.f32 $0xffff, v5  }
0x94: {  	v3 =	vadd.f32 v3, v4;
	_ =	sdelay $0x1  }
0x95: {  	(xrf2) =	vadd.scan.msk.f32 $0xffff, v3;
	_ =	sdelay $0x3  }
0x96: {  	s9 =	sadd.s32 $0x2, s17;
	s10 =	sadd.s32 $0x3, s17  }
0x97: {  	v50 =	vmov s17;
	s14 =	sadd.s32 $0xFFFFFFF3, s17;
	s31 =	sadd.s32 $0x1, s17;
	v51 =	vmov s9;
	v52 =	vmov s10;
	v3, _, _ =	vpop (xrf2)  }
0x98: {  	s18 =	sadd.s32 $0xFFFFFFF1, s17;
	s10 =	sadd.s32 $0xFFFFFFF2, s17;
	v53 =	vmov s14;
	vm0 =	veq.s32 v50, v0;
	s14 =	sadd.s32 $0xFFFFFFF0, s17;
	v55 =	vmov s31;
	v54, _, _ =	vpop (xrf2)  }
0x99: {  	v58 =	vmov s18;
	v56 =	vmov s10;
	v57 =	vmov s14;
	v59, _, _ =	vpop (xrf2)  }
0x9a: {  	vm1 =	veq.s32 v52, v0;
	vm2 =	veq.s32 v51, v0;
	v60 =	vbroadcast v59, $0xF  }
0x9b: {  	s31 =	sshll.u32 s15, $0x5;
	s15 =	sadd.s32 $0x1, s15;
	vm3 =	veq.s32 v55, v0;
	vm4 =	veq.s32 v58, v0;
	v61 =	vbroadcast v54, $0xF  }
0x9c: {  	p1 =	sne.s32 s15, $0xA;
	vm5 =	veq.s32 v57, v0;
	v3 =	vbroadcast v3, $0xF;
	v62, _, _ =	vpop (xrf2);
	v1 =	vsel vm0, v60, v1  }
.Ltmp8:
0x9d: {  	v63 =	vbroadcast v62, $0xF;
	v2 =	vsel vm5, v60, v2;
	v1 =	vsel vm3, v61, v1;
	(pc) =	sbr.rel @p1 .LBB2_9-.Ltmp8, $4  }
0x9e: {  	vm14 =	veq.s32 v56, v0;
	v2 =	vsel vm4, v61, v2;
	v1 =	vsel vm2, v3, v1  }
0x9f: {  	vm15 =	veq.s32 v53, v0;
	s9 =	sand.u32 $0x3FFFFFE0, s31;
	v2 =	vsel vm14, v3, v2;
	v1 =	vsel vm1, v63, v1  }
0xa0: {  	v2 =	vsel vm15, v63, v2;
	[tilespmem:s9+$0x1E140] =	vst v1  }
0xa1: {  	s19 =	sadd.s32 $0x800, s19;
	[tilespmem:s9+$0x1E150] =	vst v2  }
0xa2: {  	s9 =	smul.u32 $0x140, s11;
	p1 =	seq.s32 s12, $0x0  }
.Ltmp9:
0xa3: {  	_ = 	snop;
	(pc) =	sbr.rel @p1 .LBB2_23-.Ltmp9, $4  }
0xa4: {  	s9 =	sadd.s32 s7, s9  }
0xa5: {  	s9 =	sshrl.u32 s9, $0x3  }
0xa6: {  	s9 =	sadd.s32 s2, s9  }
0xa7: {  	[hbm4b:s9+s4] =	stream.linear.scatter [tilespmem:s30], [sflag:$0x5], $0x140, $0x38;
	[tilespmem:$0x1E3C0] =	vst v63  }
.LBB2_13:
0xa8: {  	p1 =	seq.s32 s11, $0x1E  }
.Ltmp10:
0xa9: {  	_ = 	snop;
	(pc) =	sbr.rel @p1 .LBB2_17-.Ltmp10, $4  }
0xaa: {  	_ = 	snop  }
0xab: {  	_ =	swait.ge [sflag:s24], $0xA000  }
0xac: {  	[sflag:s24] =	ssyncset.done $0x0  }
0xad: {  	[sflag:s24] =	ssyncadd.s32 $0xFFFF6000  }
0xae: {  	p1 =	slt.u32 s11, $0x1D  }
.Ltmp11:
0xaf: {  	_ = 	snop;
	(pc) =	sbr.rel @!p1 .LBB2_15-.Ltmp11, $4  }
0xb0: {  	_ =	swait.ge [sflag:s28], $0x280  }
0xb1: {  	[sflag:s28] =	ssyncset.done $0x0  }
0xb2: {  	s10 =	sadd.s32 $0x2, s11;
	[sflag:s28] =	ssyncadd.s32 $0xFFFFFD80  }
0xb3: {  	[tilespmem:s23], [sflag:$0x1] =	stream.indirect.gather [spmem:s3], $0x40, s20, s22, $0xb8;
	[tilespmem:$0x1E3C0] =	vst v63  }
0xb4: {  	s9 =	smul.u32 $0x280, s10;
	p1 =	slt.u32 s11, $0x2  }
.Ltmp12:
0xb5: {  	_ = 	snop;
	(pc) =	sbr.rel @p1 .LBB2_18-.Ltmp12, $4  }
.Ltmp13:
0xb6: {  	s9 =	sadd.s32 s6, s9;
	(pc) =	sbr.rel @!p1 .LBB2_17-.Ltmp13, $4  }
0xb7: {  	s9 =	sshrl.u32 s9, $0x3  }
0xb8: {  	s9 =	sadd.s32 s5, s9  }
0xb9: {  	[tilespmem:s21], [sflag:$0x4] =	stream.linear.gather [hbm4b:s9+s4], $0x280, $0x38;
	[tilespmem:$0x1E3C0] =	vst v63  }
0xba: {  	_ = 	snop  }
.LBB2_15:
0xbb: {  	p1 =	sne.s32 s10, $0x1F  }
0xbc: {  	s9 =	simm.s32 @!p1 $0x0;
	s10 =	simm.s32 @!p1 $0x9EC0  }
0xbd: {  	[tilespmem:s10], [sflag:$0x4] =	stream.linear.gather @!p1 [hbm4b:s13+s9], $0xA0, $0x38;
	[tilespmem:$0x1E3C0] =	vst v63  }
.LBB2_17:
0xbe: {  	_ =	swait.ge [sflag:s25], $0x140  }
0xbf: {  	[sflag:s25] =	ssyncset.done $0x0  }
0xc0: {  	[sflag:s25] =	ssyncadd.s32 $0xFFFFFEC0  }
.LBB2_18:
0xc1: {  	s12 =	simm.s32 $0x0;
	s15 =	simm.s32 $0x19230  }
.LBB2_19:
0xc2: {  	v6 =	vld [tilespmem:s15+$0xFFFFAFC0]  }
0xc3: {  	v8 =	vld [tilespmem:s15+$0xFFFFFFC0]  }
0xc4: {  	v7 =	vld [tilespmem:s15+$0xFFFFAF80]  }
0xc5: {  	v9 =	vld [tilespmem:s15+$0xFFFFFF80]  }
0xc6: {  	v3 =	vld [tilespmem:s15+$0xFFFFAFF0]  }
0xc7: {  	v4 =	vld [tilespmem:s15+$0xFFFFFFF0]  }
0xc8: {  	v5 =	vld [tilespmem:s15+$0xFFFFAF40]  }
0xc9: {  	v15 =	vld [tilespmem:s15+$0xFFFFAFB0]  }
0xca: {  	v16 =	vld [tilespmem:s15+$0xFFFFFFB0]  }
0xcb: {  	v12 =	vld [tilespmem:s15+$0xFFFFAF70]  }
0xcc: {  	v14 =	vld [tilespmem:s15+$0xFFFFFF70]  }
0xcd: {  	v10 =	vld [tilespmem:s15+$0xFFFFAFD0]  }
0xce: {  	v11 =	vld [tilespmem:s15+$0xFFFFFFD0]  }
0xcf: {  	v13 =	vld [tilespmem:s15+$0xFFFFAF30]  }
0xd0: {  	v2 =	vld [tilespmem:s15+$0xFFFFAF90]  }
0xd1: {  	v24 =	vld [tilespmem:s15+$0xFFFFFF90]  }
0xd2: {  	v26 =	vld [tilespmem:s15+$0xFFFFAFA0]  }
0xd3: {  	v27 =	vld [tilespmem:s15+$0xFFFFFFA0]  }
0xd4: {  	v17 =	vld [tilespmem:s15+$0xFFFFAF50]  }
0xd5: {  	v19 =	vld [tilespmem:s15+$0xFFFFFF50]  }
0xd6: {  	v20 =	vld [tilespmem:s15+$0xFFFFAF60]  }
0xd7: {  	v23 =	vld [tilespmem:s15+$0xFFFFFF60]  }
0xd8: {  	v18 =	vld [tilespmem:s15+$0xFFFFAF10]  }
0xd9: {  	v21 =	vld [tilespmem:s15+$0xFFFFFF10]  }
0xda: {  	v22 =	vld [tilespmem:s15+$0xFFFFAF20];
	v25 =	vmul.bf16 v24, v2;
	v26 =	vmul.bf16 v27, v26  }
0xdb: {  	v1 =	vimm.f32 $0.0e+00;
	s10 =	simm.s32 $0x4;
	s17 =	smov.u32 s15;
	s16 =	simm.s32 $0x0;
	v24 =	vld [tilespmem:s15+$0xFFFFFF20];
	v2 =	vimm.f32 $0.0e+00  }
.LBB2_20:
0xdc: {  	p1 =	slt.u32 s10, $0x1C;
	v27 =	vld [tilespmem:s17+$0xFFFFFF30];
	v25 =	vadd.bf16 v26, v25;
	v15 =	vmul.bf16 v16, v15  }
0xdd: {  	v16 =	vmul.bf16 v19, v17;
	v17 =	vmul.bf16 v23, v20;
	v19 =	vld [tilespmem:s17+$0xFFFFAFE0]  }
0xde: {  	v6 =	vmul.bf16 v8, v6;
	v15 =	vadd.bf16 v15, v25;
	v20 =	vld [tilespmem:s17+$0xFFFFFFE0]  }
0xdf: {  	v12 =	vmul.bf16 v14, v12;
	v7 =	vmul.bf16 v9, v7;
	v8 =	vadd.bf16 v17, v16;
	v23 =	vld [tilespmem:s17+$0xFFFFFF40]  }
0xe0: {  	v9 =	vmul.bf16 v21, v18;
	v14 =	vmul.bf16 v24, v22;
	v15 =	vadd.bf16 v6, v15;
	v16 =	vld [tilespmem:s17+$0xFFFFB000]  }
0xe1: {  	v10 =	vmul.bf16 v11, v10;
	v12 =	vadd.bf16 v12, v8;
	v13 =	vmul.bf16 v27, v13;
	v11 =	vld [tilespmem:s17+$0x0];
	s17 =	sadd.s32 $0x100, s17  }
0xe2: {  	v6 =	vld [tilespmem:s17+$0xFFFFAFC0];
	v9 =	vadd.bf16 v14, v9;
	v14 =	vunpack.i.u.bf16.f32 v15;
	v15 =	vunpack.i.l.bf16.f32 v15  }
0xe3: {  	v12 =	vadd.bf16 v7, v12;
	v8 =	vld [tilespmem:s17+$0xFFFFFFC0];
	v14 =	vadd.f32 v15, v14;
	v15 =	vmul.bf16 v20, v19  }
0xe4: {  	v17 =	vmul.bf16 v4, v3;
	v7 =	vld [tilespmem:s17+$0xFFFFAF80];
	v13 =	vadd.bf16 v13, v9;
	v5 =	vmul.bf16 v23, v5  }
0xe5: {  	v4 =	vunpack.i.u.bf16.f32 v12;
	v12 =	vunpack.i.l.bf16.f32 v12;
	v9 =	vld [tilespmem:s17+$0xFFFFFF80];
	v10 =	vadd.bf16 v15, v10;
	(xrf2) =	vadd.scan.msk.f32 $0xffff, v14  }
0xe6: {  	v12 =	vadd.f32 v12, v4;
	v3 =	vld [tilespmem:s17+$0xFFFFAFF0];
	v13 =	vadd.bf16 v5, v13  }
0xe7: {  	v11 =	vmul.bf16 v11, v16;
	v4 =	vld [tilespmem:s17+$0xFFFFFFF0];
	v10 =	vadd.bf16 v17, v10  }
0xe8: {  	v5 =	vld [tilespmem:s17+$0xFFFFAF40];
	v14 =	vunpack.i.u.bf16.f32 v13;
	v13 =	vunpack.i.l.bf16.f32 v13;
	(xrf2) =	vadd.scan.msk.f32 $0xffff, v12  }
0xe9: {  	v15 =	vld [tilespmem:s17+$0xFFFFAFB0];
	v13 =	vadd.f32 v13, v14;
	v10 =	vadd.bf16 v11, v10  }
0xea: {  	v16 =	vld [tilespmem:s17+$0xFFFFFFB0]  }
0xeb: {  	v12 =	vld [tilespmem:s17+$0xFFFFAF70];
	v11 =	vunpack.i.u.bf16.f32 v10;
	v10 =	vunpack.i.l.bf16.f32 v10;
	(xrf2) =	vadd.scan.msk.f32 $0xffff, v13  }
0xec: {  	v14 =	vld [tilespmem:s17+$0xFFFFFF70];
	v13 =	vadd.f32 v10, v11  }
0xed: {  	v10 =	vld [tilespmem:s17+$0xFFFFAFD0]  }
0xee: {  	v11 =	vld [tilespmem:s17+$0xFFFFFFD0];
	(xrf2) =	vadd.scan.msk.f32 $0xffff, v13  }
0xef: {  	v13 =	vld [tilespmem:s17+$0xFFFFAF30];
	v21, _, _ =	vpop (xrf2)  }
0xf0: {  	v18 =	vld [tilespmem:s17+$0xFFFFAF90]  }
0xf1: {  	s9 =	sadd.s32 $0x2, s16;
	s14 =	sadd.s32 $0x3, s16;
	s18 =	sadd.s32 $0xFFFFFFF3, s16;
	v17 =	vmov s16;
	v22 =	vld [tilespmem:s17+$0xFFFFFF90]  }
0xf2: {  	s19 =	sadd.s32 $0x1, s16;
	v20 =	vmov s9;
	s9 =	sadd.s32 $0xFFFFFFF2, s16;
	v19 =	vmov s14;
	v23 =	vmov s18;
	v24 =	vld [tilespmem:s17+$0xFFFFAFA0];
	v26, _, _ =	vpop (xrf2)  }
0xf3: {  	v25 =	vmov s19;
	s14 =	sadd.s32 $0xFFFFFFF0, s16;
	s18 =	sadd.s32 $0xFFFFFFF1, s16;
	v28 =	vmov s9;
	s16 =	smov.u32 s10;
	vm1 =	veq.s32 v17, v0;
	v27 =	vld [tilespmem:s17+$0xFFFFFFA0]  }
0xf4: {  	v29 =	vmov s14;
	vm0 =	veq.s32 v19, v0;
	v30 =	vmov s18;
	v17 =	vld [tilespmem:s17+$0xFFFFAF50]  }
0xf5: {  	vm2 =	veq.s32 v20, v0;
	vm3 =	veq.s32 v28, v0;
	vm4 =	veq.s32 v23, v0;
	v19 =	vld [tilespmem:s17+$0xFFFFFF50];
	v23, _, _ =	vpop (xrf2)  }
0xf6: {  	vm5 =	veq.s32 v25, v0;
	vm6 =	veq.s32 v30, v0;
	v20 =	vld [tilespmem:s17+$0xFFFFAF60];
	v28 =	vbroadcast v23, $0xF  }
.Ltmp14:
0xf7: {  	vm7 =	veq.s32 v29, v0;
	v25 =	vmul.bf16 v22, v18;
	v22 =	vbroadcast v26, $0xF;
	v23 =	vld [tilespmem:s17+$0xFFFFFF60];
	(pc) =	sbr.rel @p1 .LBB2_20-.Ltmp14, $4  }
0xf8: {  	v18 =	vld [tilespmem:s17+$0xFFFFAF10];
	v1 =	vsel vm1, v28, v1;
	v2 =	vsel vm7, v28, v2;
	v28 =	vbroadcast v21, $0xF;
	v26, _, _ =	vpop (xrf2)  }
0xf9: {  	v21 =	vld [tilespmem:s17+$0xFFFFFF10];
	v1 =	vsel vm5, v22, v1;
	v2 =	vsel vm6, v22, v2;
	v29 =	vbroadcast v26, $0xF  }
0xfa: {  	v26 =	vmul.bf16 v27, v24;
	v22 =	vld [tilespmem:s17+$0xFFFFAF20];
	v1 =	vsel vm2, v28, v1;
	v2 =	vsel vm3, v28, v2  }
0xfb: {  	s10 =	sadd.s32 $0x4, s10;
	v24 =	vld [tilespmem:s17+$0xFFFFFF20];
	v1 =	vsel vm0, v29, v1;
	v2 =	vsel vm4, v29, v2  }
0xfc: {  	v27 =	vld [tilespmem:s17+$0xFFFFFF30]  }
0xfd: {  	v15 =	vmul.bf16 v16, v15;
	v34 =	vld [tilespmem:s17+$0xFFFFAFE0]  }
0xfe: {  	v25 =	vadd.bf16 v26, v25;
	v17 =	vmul.bf16 v19, v17;
	v35 =	vmul.bf16 v23, v20;
	v36 =	vld [tilespmem:s17+$0xFFFFFFE0]  }
0xff: {  	v6 =	vmul.bf16 v8, v6;
	v37 =	vld [tilespmem:s17+$0xFFFFFF40];
	v12 =	vmul.bf16 v14, v12  }
0x100: {  	v41 =	vld [tilespmem:s17+$0xFFFFB000];
	v15 =	vadd.bf16 v15, v25;
	v39 =	vmul.bf16 v21, v18;
	v40 =	vmul.bf16 v24, v22  }
0x101: {  	v7 =	vmul.bf16 v9, v7;
	v42 =	vld [tilespmem:s17+$0x0];
	v10 =	vmul.bf16 v11, v10;
	v38 =	vadd.bf16 v35, v17  }
0x102: {  	v6 =	vadd.bf16 v6, v15;
	v13 =	vmul.bf16 v27, v13;
	v43 =	vadd.bf16 v40, v39  }
0x103: {  	v3 =	vmul.bf16 v4, v3;
	v12 =	vadd.bf16 v12, v38;
	v16 =	vmul.bf16 v36, v34  }
0x104: {  	v5 =	vmul.bf16 v37, v5;
	v44 =	vunpack.i.u.bf16.f32 v6;
	v45 =	vadd.bf16 v13, v43  }
0x105: {  	v7 =	vadd.bf16 v7, v12;
	v6 =	vunpack.i.l.bf16.f32 v6;
	v46 =	vadd.bf16 v16, v10  }
0x106: {  	v48 =	vmul.bf16 v42, v41;
	v6 =	vadd.f32 v6, v44;
	v5 =	vadd.bf16 v5, v45  }
0x107: {  	v47 =	vunpack.i.u.bf16.f32 v7;
	v7 =	vunpack.i.l.bf16.f32 v7;
	v3 =	vadd.bf16 v3, v46  }
0x108: {  	v7 =	vadd.f32 v7, v47;
	v49 =	vunpack.i.u.bf16.f32 v5;
	v5 =	vunpack.i.l.bf16.f32 v5  }
0x109: {  	(xrf2) =	vadd.scan.msk.f32 $0xffff, v6;
	v3 =	vadd.bf16 v48, v3;
	v5 =	vadd.f32 v5, v49  }
0x10a: {  	(xrf2) =	vadd.scan.msk.f32 $0xffff, v7  }
0x10b: {  	v4 =	vunpack.i.u.bf16.f32 v3;
	v3 =	vunpack.i.l.bf16.f32 v3;
	(xrf2) =	vadd.scan.msk.f32 $0xffff, v5  }
0x10c: {  	v3 =	vadd.f32 v3, v4;
	_ =	sdelay $0x1  }
0x10d: {  	(xrf2) =	vadd.scan.msk.f32 $0xffff, v3;
	_ =	sdelay $0x3  }
0x10e: {  	s9 =	sadd.s32 $0x2, s16;
	s10 =	sadd.s32 $0x3, s16  }
0x10f: {  	v50 =	vmov s16;
	s14 =	sadd.s32 $0xFFFFFFF3, s16;
	s31 =	sadd.s32 $0x1, s16;
	v51 =	vmov s9;
	v52 =	vmov s10;
	v3, _, _ =	vpop (xrf2)  }
0x110: {  	s18 =	sadd.s32 $0xFFFFFFF0, s16;
	s19 =	sadd.s32 $0xFFFFFFF1, s16;
	s10 =	sadd.s32 $0xFFFFFFF2, s16;
	v53 =	vmov s14;
	vm0 =	veq.s32 v50, v0;
	v55 =	vmov s31;
	v54, _, _ =	vpop (xrf2)  }
0x111: {  	v57 =	vmov s18;
	v58 =	vmov s19;
	v56 =	vmov s10;
	v59, _, _ =	vpop (xrf2)  }
0x112: {  	vm1 =	veq.s32 v52, v0;
	vm2 =	veq.s32 v51, v0;
	v60 =	vbroadcast v59, $0xF  }
0x113: {  	s31 =	sshll.u32 s12, $0x5;
	s12 =	sadd.s32 $0x1, s12;
	vm3 =	veq.s32 v55, v0;
	vm4 =	veq.s32 v58, v0;
	v61 =	vbroadcast v54, $0xF  }
0x114: {  	vm5 =	veq.s32 v57, v0;
	p1 =	sne.s32 s12, $0xA;
	v3 =	vbroadcast v3, $0xF;
	v62, _, _ =	vpop (xrf2);
	v1 =	vsel vm0, v60, v1  }
.Ltmp15:
0x115: {  	v63 =	vbroadcast v62, $0xF;
	v2 =	vsel vm5, v60, v2;
	v1 =	vsel vm3, v61, v1;
	(pc) =	sbr.rel @p1 .LBB2_19-.Ltmp15, $4  }
0x116: {  	vm14 =	veq.s32 v56, v0;
	v2 =	vsel vm4, v61, v2;
	v1 =	vsel vm2, v3, v1  }
0x117: {  	vm15 =	veq.s32 v53, v0;
	s9 =	sand.u32 $0x3FFFFFE0, s31;
	v2 =	vsel vm14, v3, v2;
	v1 =	vsel vm1, v63, v1  }
0x118: {  	v2 =	vsel vm15, v63, v2;
	[tilespmem:s9+$0x1E280] =	vst v1  }
0x119: {  	s15 =	sadd.s32 $0x800, s15;
	[tilespmem:s9+$0x1E290] =	vst v2  }
0x11a: {  	s9 =	smul.u32 $0x140, s11  }
.Ltmp16:
0x11b: {  	_ = 	snop;
	(pc) =	sbr.rel .LBB2_23-.Ltmp16, $4  }
0x11c: {  	s9 =	sadd.s32 s7, s9  }
0x11d: {  	s9 =	sshrl.u32 s9, $0x3  }
0x11e: {  	s9 =	sadd.s32 s2, s9  }
0x11f: {  	[hbm4b:s9+s4] =	stream.linear.scatter [tilespmem:s26], [sflag:$0x6], $0x140, $0x38;
	[tilespmem:$0x1E3C0] =	vst v63  }
.LBB2_24:
0x120: {  	_ =	swait.ge [sflag:s29], $0xA0  }
0x121: {  	[sflag:s29] =	ssyncset.done $0x0  }
0x122: {  	s9 =	simm.s32 $0xA0;
	s10 =	simm.s32 $0x14140;
	[sflag:s29] =	ssyncadd.s32 $0xFFFFFF60  }
0x123: {  	[tilespmem:s10], [sflag:$0x2] =	stream.indirect.gather [spmem:s3], $0x40, s21, s9, $0xb8;
	[tilespmem:$0x1E3C0] =	vst v63  }
0x124: {  	_ =	swait.ge [sflag:s24], $0x2800  }
0x125: {  	[sflag:s24] =	ssyncset.done $0x0  }
0x126: {  	[sflag:s24] =	ssyncadd.s32 $0xFFFFD800  }
0x127: {  	_ =	swait.ge [sflag:s25], $0x140  }
0x128: {  	[sflag:s25] =	ssyncset.done $0x0  }
0x129: {  	[sflag:s25] =	ssyncadd.s32 $0xFFFFFEC0  }
0x12a: {  	_ =	swait.ge [sflag:s0], $0x140  }
0x12b: {  	[sflag:s0] =	ssyncset.done $0x0  }
0x12c: {  	s11 =	simm.s32 $0x0;
	s12 =	simm.s32 $0x15630;
	[sflag:s0] =	ssyncadd.s32 $0xFFFFFEC0  }
.LBB2_25:
0x12d: {  	v5 =	vld [tilespmem:s12+$0xFFFFEBC0]  }
0x12e: {  	v7 =	vld [tilespmem:s12+$0xFFFFFFC0]  }
0x12f: {  	v6 =	vld [tilespmem:s12+$0xFFFFEB80]  }
0x130: {  	v8 =	vld [tilespmem:s12+$0xFFFFFF80]  }
0x131: {  	v2 =	vld [tilespmem:s12+$0xFFFFEBF0]  }
0x132: {  	v3 =	vld [tilespmem:s12+$0xFFFFFFF0]  }
0x133: {  	v4 =	vld [tilespmem:s12+$0xFFFFEB40]  }
0x134: {  	v14 =	vld [tilespmem:s12+$0xFFFFEBB0]  }
0x135: {  	v15 =	vld [tilespmem:s12+$0xFFFFFFB0]  }
0x136: {  	v11 =	vld [tilespmem:s12+$0xFFFFEB70]  }
0x137: {  	v13 =	vld [tilespmem:s12+$0xFFFFFF70]  }
0x138: {  	v9 =	vld [tilespmem:s12+$0xFFFFEBD0]  }
0x139: {  	v10 =	vld [tilespmem:s12+$0xFFFFFFD0]  }
0x13a: {  	v12 =	vld [tilespmem:s12+$0xFFFFEB30]  }
0x13b: {  	v23 =	vld [tilespmem:s12+$0xFFFFEB90]  }
0x13c: {  	v24 =	vld [tilespmem:s12+$0xFFFFFF90]  }
0x13d: {  	v25 =	vld [tilespmem:s12+$0xFFFFEBA0]  }
0x13e: {  	v26 =	vld [tilespmem:s12+$0xFFFFFFA0]  }
0x13f: {  	v16 =	vld [tilespmem:s12+$0xFFFFEB50]  }
0x140: {  	v17 =	vld [tilespmem:s12+$0xFFFFFF50]  }
0x141: {  	v19 =	vld [tilespmem:s12+$0xFFFFEB60]  }
0x142: {  	v22 =	vld [tilespmem:s12+$0xFFFFFF60]  }
0x143: {  	v18 =	vld [tilespmem:s12+$0xFFFFEB10]  }
0x144: {  	v20 =	vld [tilespmem:s12+$0xFFFFFF10]  }
0x145: {  	v21 =	vld [tilespmem:s12+$0xFFFFEB20];
	v24 =	vmul.bf16 v24, v23;
	v25 =	vmul.bf16 v26, v25  }
0x146: {  	v1 =	vimm.f32 $0.0e+00;
	s10 =	simm.s32 $0x4;
	s16 =	smov.u32 s12;
	s15 =	simm.s32 $0x0;
	v23 =	vld [tilespmem:s12+$0xFFFFFF20]  }
.LBB2_26:
0x147: {  	p1 =	slt.u32 s10, $0xC;
	v26 =	vld [tilespmem:s16+$0xFFFFFF30];
	v24 =	vadd.bf16 v25, v24;
	v14 =	vmul.bf16 v15, v14  }
0x148: {  	v15 =	vmul.bf16 v17, v16;
	v16 =	vmul.bf16 v22, v19;
	v17 =	vld [tilespmem:s16+$0xFFFFEBE0]  }
0x149: {  	v5 =	vmul.bf16 v7, v5;
	v14 =	vadd.bf16 v14, v24;
	v19 =	vld [tilespmem:s16+$0xFFFFFFE0]  }
0x14a: {  	v11 =	vmul.bf16 v13, v11;
	v6 =	vmul.bf16 v8, v6;
	v7 =	vadd.bf16 v16, v15;
	v22 =	vld [tilespmem:s16+$0xFFFFFF40]  }
0x14b: {  	v8 =	vmul.bf16 v20, v18;
	v13 =	vmul.bf16 v23, v21;
	v14 =	vadd.bf16 v5, v14;
	v15 =	vld [tilespmem:s16+$0xFFFFEC00]  }
0x14c: {  	v9 =	vmul.bf16 v10, v9;
	v11 =	vadd.bf16 v11, v7;
	v12 =	vmul.bf16 v26, v12;
	v10 =	vld [tilespmem:s16+$0x0];
	s16 =	sadd.s32 $0x100, s16  }
0x14d: {  	v5 =	vld [tilespmem:s16+$0xFFFFEBC0];
	v8 =	vadd.bf16 v13, v8;
	v13 =	vunpack.i.u.bf16.f32 v14;
	v14 =	vunpack.i.l.bf16.f32 v14  }
0x14e: {  	v11 =	vadd.bf16 v6, v11;
	v7 =	vld [tilespmem:s16+$0xFFFFFFC0];
	v13 =	vadd.f32 v14, v13;
	v14 =	vmul.bf16 v19, v17  }
0x14f: {  	v16 =	vmul.bf16 v3, v2;
	v6 =	vld [tilespmem:s16+$0xFFFFEB80];
	v12 =	vadd.bf16 v12, v8;
	v4 =	vmul.bf16 v22, v4  }
0x150: {  	v3 =	vunpack.i.u.bf16.f32 v11;
	v11 =	vunpack.i.l.bf16.f32 v11;
	v8 =	vld [tilespmem:s16+$0xFFFFFF80];
	v9 =	vadd.bf16 v14, v9;
	(xrf2) =	vadd.scan.msk.f32 $0xffff, v13  }
0x151: {  	v11 =	vadd.f32 v11, v3;
	v2 =	vld [tilespmem:s16+$0xFFFFEBF0];
	v12 =	vadd.bf16 v4, v12  }
0x152: {  	v10 =	vmul.bf16 v10, v15;
	v3 =	vld [tilespmem:s16+$0xFFFFFFF0];
	v9 =	vadd.bf16 v16, v9  }
0x153: {  	v4 =	vld [tilespmem:s16+$0xFFFFEB40];
	v13 =	vunpack.i.u.bf16.f32 v12;
	v12 =	vunpack.i.l.bf16.f32 v12;
	(xrf2) =	vadd.scan.msk.f32 $0xffff, v11  }
0x154: {  	v14 =	vld [tilespmem:s16+$0xFFFFEBB0];
	v12 =	vadd.f32 v12, v13;
	v9 =	vadd.bf16 v10, v9  }
0x155: {  	v15 =	vld [tilespmem:s16+$0xFFFFFFB0]  }
0x156: {  	v11 =	vld [tilespmem:s16+$0xFFFFEB70];
	v10 =	vunpack.i.u.bf16.f32 v9;
	v9 =	vunpack.i.l.bf16.f32 v9;
	(xrf2) =	vadd.scan.msk.f32 $0xffff, v12  }
0x157: {  	v13 =	vld [tilespmem:s16+$0xFFFFFF70];
	v12 =	vadd.f32 v9, v10  }
0x158: {  	v9 =	vld [tilespmem:s16+$0xFFFFEBD0]  }
0x159: {  	v10 =	vld [tilespmem:s16+$0xFFFFFFD0];
	(xrf2) =	vadd.scan.msk.f32 $0xffff, v12  }
0x15a: {  	v12 =	vld [tilespmem:s16+$0xFFFFEB30];
	v20, _, _ =	vpop (xrf2)  }
0x15b: {  	v23 =	vld [tilespmem:s16+$0xFFFFEB90]  }
0x15c: {  	v24 =	vld [tilespmem:s16+$0xFFFFFF90]  }
0x15d: {  	v25 =	vld [tilespmem:s16+$0xFFFFEBA0];
	v18, _, _ =	vpop (xrf2)  }
0x15e: {  	v26 =	vld [tilespmem:s16+$0xFFFFFFA0]  }
0x15f: {  	s9 =	sadd.s32 $0x3, s15;
	v16 =	vld [tilespmem:s16+$0xFFFFEB50]  }
0x160: {  	s14 =	sadd.s32 $0x2, s15;
	v27 =	vmov s9;
	v21 =	vmov s15;
	v17 =	vld [tilespmem:s16+$0xFFFFFF50];
	v22, _, _ =	vpop (xrf2)  }
0x161: {  	s9 =	sadd.s32 $0x1, s15;
	s15 =	smov.u32 s10;
	vm0 =	veq.s32 v21, v0;
	v21 =	vmov s14;
	v19 =	vld [tilespmem:s16+$0xFFFFEB60];
	v31 =	vbroadcast v22, $0xF  }
.Ltmp17:
0x162: {  	v30 =	vmov s9;
	vm1 =	veq.s32 v27, v0;
	v29 =	vbroadcast v18, $0xF;
	v22 =	vld [tilespmem:s16+$0xFFFFFF60];
	(pc) =	sbr.rel @p1 .LBB2_26-.Ltmp17, $4  }
0x163: {  	v27 =	vbroadcast v20, $0xF;
	v18 =	vld [tilespmem:s16+$0xFFFFEB10];
	v1 =	vsel vm0, v31, v1;
	vm0 =	veq.s32 v30, v0;
	v28, _, _ =	vpop (xrf2)  }
0x164: {  	v20 =	vld [tilespmem:s16+$0xFFFFFF10];
	v1 =	vsel vm0, v29, v1;
	vm0 =	veq.s32 v21, v0;
	v28 =	vbroadcast v28, $0xF  }
0x165: {  	v24 =	vmul.bf16 v24, v23;
	v25 =	vmul.bf16 v26, v25;
	v21 =	vld [tilespmem:s16+$0xFFFFEB20];
	v1 =	vsel vm0, v27, v1  }
0x166: {  	s10 =	sadd.s32 $0x4, s10;
	v23 =	vld [tilespmem:s16+$0xFFFFFF20];
	v1 =	vsel vm1, v28, v1  }
0x167: {  	v26 =	vld [tilespmem:s16+$0xFFFFFF30]  }
0x168: {  	v14 =	vmul.bf16 v15, v14;
	v44 =	vld [tilespmem:s16+$0xFFFFEBE0]  }
0x169: {  	v16 =	vmul.bf16 v17, v16;
	v45 =	vmul.bf16 v22, v19;
	v46 =	vld [tilespmem:s16+$0xFFFFFFE0]  }
0x16a: {  	v24 =	vadd.bf16 v25, v24;
	v5 =	vmul.bf16 v7, v5;
	v47 =	vld [tilespmem:s16+$0xFFFFFF40];
	v11 =	vmul.bf16 v13, v11  }
0x16b: {  	v48 =	vadd.bf16 v45, v16;
	v49 =	vmul.bf16 v20, v18;
	v50 =	vmul.bf16 v23, v21  }
0x16c: {  	v6 =	vmul.bf16 v8, v6;
	v51 =	vld [tilespmem:s16+$0xFFFFEC00];
	v9 =	vmul.bf16 v10, v9;
	v14 =	vadd.bf16 v14, v24  }
0x16d: {  	v52 =	vld [tilespmem:s16+$0x0];
	v11 =	vadd.bf16 v11, v48;
	v12 =	vmul.bf16 v26, v12;
	v53 =	vadd.bf16 v50, v49  }
0x16e: {  	v2 =	vmul.bf16 v3, v2;
	v5 =	vadd.bf16 v5, v14;
	v15 =	vmul.bf16 v46, v44  }
0x16f: {  	v4 =	vmul.bf16 v47, v4;
	v6 =	vadd.bf16 v6, v11;
	v55 =	vadd.bf16 v12, v53  }
0x170: {  	v54 =	vunpack.i.u.bf16.f32 v5;
	v5 =	vunpack.i.l.bf16.f32 v5;
	v3 =	vadd.bf16 v15, v9  }
0x171: {  	v5 =	vadd.f32 v5, v54;
	v56 =	vunpack.i.u.bf16.f32 v6;
	v4 =	vadd.bf16 v4, v55  }
0x172: {  	v6 =	vunpack.i.l.bf16.f32 v6;
	v2 =	vadd.bf16 v2, v3;
	v3 =	vmul.bf16 v52, v51  }
0x173: {  	v6 =	vadd.f32 v6, v56;
	v57 =	vunpack.i.u.bf16.f32 v4;
	v4 =	vunpack.i.l.bf16.f32 v4  }
0x174: {  	(xrf2) =	vadd.scan.msk.f32 $0xffff, v5;
	v2 =	vadd.bf16 v3, v2;
	v4 =	vadd.f32 v4, v57  }
0x175: {  	(xrf2) =	vadd.scan.msk.f32 $0xffff, v6  }
0x176: {  	v3 =	vunpack.i.u.bf16.f32 v2;
	v2 =	vunpack.i.l.bf16.f32 v2;
	(xrf2) =	vadd.scan.msk.f32 $0xffff, v4  }
0x177: {  	v2 =	vadd.f32 v2, v3;
	_ =	sdelay $0x1  }
0x178: {  	(xrf2) =	vadd.scan.msk.f32 $0xffff, v2;
	_ =	sdelay $0x4  }
0x179: {  	v2, _, _ =	vpop (xrf2)  }
0x17a: {  	v3, _, _ =	vpop (xrf2)  }
0x17b: {  	s9 =	sadd.s32 $0x3, s15;
	v58 =	vmov s15;
	s10 =	sadd.s32 $0x2, s15;
	v59, _, _ =	vpop (xrf2)  }
0x17c: {  	s19 =	sadd.s32 $0x1, s15;
	s31 =	sshll.u32 s11, $0x4;
	s11 =	sadd.s32 $0x1, s11;
	v60 =	vmov s9;
	vm0 =	veq.s32 v58, v0;
	v5 =	vbroadcast v59, $0xF  }
0x17d: {  	v61 =	vmov s10;
	v62 =	vmov s19;
	p1 =	sne.s32 s11, $0x5;
	v3 =	vbroadcast v3, $0xF  }
.Ltmp18:
0x17e: {  	vm14 =	veq.s32 v62, v0;
	v2 =	vbroadcast v2, $0xF;
	v63, _, _ =	vpop (xrf2);
	v1 =	vsel vm0, v5, v1;
	(pc) =	sbr.rel @p1 .LBB2_25-.Ltmp18, $4  }
0x17f: {  	vm15 =	veq.s32 v61, v0;
	v1 =	vsel vm14, v3, v1;
	v3 =	vbroadcast v63, $0xF  }
0x180: {  	vm1 =	veq.s32 v60, v0;
	v1 =	vsel vm15, v2, v1  }
0x181: {  	s9 =	sand.u32 $0x3FFFFFF0, s31;
	v1 =	vsel vm1, v3, v1  }
0x182: {  	s12 =	sadd.s32 $0x400, s12;
	[tilespmem:s9+$0x1E280] =	vst v1  }
0x183: {  	s9 =	rddreg [dreg:$0xa]  }
0x184: {  	[hbm4b:s9+s4] =	stream.linear.scatter [tilespmem:s26], [sflag:$0x6], $0x50, $0x38;
	[tilespmem:$0x1E3C0] =	vst v63  }
0x185: {  	_ =	swait.ge [sflag:s25], $0x50  }
0x186: {  	s8 =	sadd.s32 $0x1, s8;
	s31 =	rddreg [dreg:$0xb]  }
0x187: {  	p1 =	sne.s32 s8, s31  }
.Ltmp19:
0x188: {  	_ = 	snop;
	(pc) =	sbr.rel @p1 .LBB2_1-.Ltmp19, $3  }
0x189: {  	_ =	sdelay $0x1  }
0x18a: {  	[sflag:s25] =	ssyncset.done $0x0  }
0x18b: {  	[sflag:s25] =	ssyncadd.s32 $0xFFFFFFB0  }
0x18c: {  	_ =	sfence.sel $0x180000  }
0x18d: {  	[bflag:$0x0] =	sbarrier.arrive $0xFFFF  }
0x18e: {  	_ =	strace $0x90000047  }
0x18f: {  	s0 =	stileid.u32;
	[bflag:$0x2] =	sbarrier.arrive $0xFFFF  }
0x190: {  	p0 =	sne.s32 s0, $0x0;
	s0 =	rddreg [dreg:$0x3]  }
0x191: {  	s0 =	sadd.s32 @!p0 $0x100000, s0  }
0x192: {  	[sflag:s0] =	ssyncadd.tile.s32 @!p0 $0x1;
	_ =	shalt  }
.Lfunc_end2:
_tile_overlayer_lowered:
.L_overlay_start_2:
0x193: {  	(tag) =	ssettag $0x2  }
0x194: {  	s0 =	rddreg [dreg:$0x0];
	s2 =	stileid.u32  }
0x195: {  	s1 =	rddreg [dreg:$0x1];
	p0 =	sne.s32 s2, $0x0  }
0x196: {  	s3 =	rddreg [dreg:$0x2];
	[bflag:$0x3] =	sbarrier.arrive $0xFFFF;
	s2 =	simm.s32 @!p0 $0x1C07  }
0x197: {  	[timem:s3], [sflag:s2] =	dma.local @!p0 [hbm:s0], s1  }
0x198: {  	s0 =	simm.s32 @!p0 $0x7  }
0x199: {  	_ =	swait.ge @!p0 [sflag:s0], s1  }
0x19a: {  	s1 =	ssub.s32 @!p0 $0x0, s1;
	[sflag:s0] =	ssyncset.done @!p0 $0x0  }
0x19b: {  	[sflag:s0] =	ssyncadd.s32 @!p0 s1  }
0x19c: {  	[bflag:$0x3] =	sbarrier.arrive $0xFFFF  }
0x19d: {  	_ =	shalt  }

</sc_bundles>
